<compile_context>
chip_gen: v7x
topology: tpu7x:2x2x1
jax: 0.10.2.dev20260603
libtpu: 0.0.44.dev20260713+nightly
codegen_flags: <defaults>
</compile_context>

<pallas_src>
import functools

import jax
import jax.numpy as jnp
from jax import lax
from jax.experimental import pallas as pl
from jax.experimental.pallas import tpu as pltpu
from jax.experimental.pallas import tpu_sc as plsc

N = 10000
E = 160000
D = 256
DH = 128
NC, NS = 2, 16
NPAD = 10240
PAD_DST = 10048
EPAD = 163840
EPT = EPAD // NS
NCH = EPT // 128
DEG_NCH = EPAD // 32 // 128
STRIPE = NPAD // NS

_mesh = plsc.VectorSubcoreMesh(core_axis_name="c", subcore_axis_name="s")



@functools.partial(
    pl.kernel,
    out_type=jax.ShapeDtypeStruct((NC, NPAD), jnp.float32),
    mesh=_mesh,
    scratch_types=[
        pltpu.VMEM((DEG_NCH, 128), jnp.int32),
        pltpu.VMEM((128,), jnp.float32),
        pltpu.VMEM_SHARED((NPAD,), jnp.float32),
    ],
)
def _sc_degree(dst_hbm, z_hbm, ones_hbm, out_hbm, didx, ones_v, acc):
    c = lax.axis_index("c")
    s = lax.axis_index("s")
    tid = c * NS + s
    pltpu.sync_copy(z_hbm.at[pl.ds(s * STRIPE, STRIPE)],
                    acc.at[pl.ds(s * STRIPE, STRIPE)])
    pltpu.sync_copy(dst_hbm.at[pl.ds(tid * DEG_NCH, DEG_NCH)], didx)
    pltpu.sync_copy(ones_hbm, ones_v)
    plsc.subcore_barrier()

    @pl.loop(0, DEG_NCH)
    def _(j):
        pltpu.sync_copy(ones_v, acc.at[didx.at[j]], add=True)

    plsc.subcore_barrier()
    pltpu.sync_copy(acc.at[pl.ds(s * STRIPE, STRIPE)],
                    out_hbm.at[c].at[pl.ds(s * STRIPE, STRIPE)])


@functools.partial(
    pl.kernel,
    out_type=jax.ShapeDtypeStruct((NC, NPAD, DH), jnp.float32),
    mesh=_mesh,
    scratch_types=[
        pltpu.VMEM((EPT,), jnp.int32),
        pltpu.VMEM((NCH * 2, 64), jnp.int32),
        pltpu.VMEM((64, DH), jnp.float32),
        pltpu.VMEM((64, DH), jnp.float32),
        pltpu.VMEM_SHARED((NPAD, DH), jnp.float32),
        pltpu.SemaphoreType.DMA,
        pltpu.SemaphoreType.DMA,
    ],
)
def _sc_spmm(u_hbm, src_hbm, dst_hbm, z_hbm, dummy_hbm, out_hbm, sidx, didx,
             gbufa, gbufb, acc, gsema, gsemb):
    c = lax.axis_index("c")
    s = lax.axis_index("s")
    @pl.loop(0, STRIPE // 128)
    def _(r):
        pltpu.sync_copy(z_hbm.at[pl.ds(s * STRIPE + r * 128, 128)],
                        acc.at[pl.ds(s * STRIPE + r * 128, 128)])

    pltpu.sync_copy(src_hbm.at[pl.ds(s * EPT, EPT)], sidx)
    pltpu.sync_copy(dst_hbm.at[pl.ds(s * NCH * 2, NCH * 2)], didx)
    plsc.subcore_barrier()

    def gath(j, buf, sem):
        pltpu.async_copy(u_hbm.at[c].at[sidx.at[pl.ds(j * 64, 64)]],
                         buf, sem)

    def wait_g(buf, sem):
        pltpu.make_async_copy(dummy_hbm, buf, sem).wait()

    gath(0, gbufa, gsema)

    @pl.loop(0, NCH)
    def _(p):
        j = p * 2
        gath(j + 1, gbufb, gsemb)
        wait_g(gbufa, gsema)
        pltpu.sync_copy(gbufa, acc.at[didx.at[j]], add=True)

        @pl.when(p < NCH - 1)
        def _():
            gath(j + 2, gbufa, gsema)

        wait_g(gbufb, gsemb)
        pltpu.sync_copy(gbufb, acc.at[didx.at[j + 1]], add=True)

    plsc.subcore_barrier()

    @pl.loop(0, STRIPE // 128)
    def _(r):
        pltpu.sync_copy(acc.at[pl.ds(s * STRIPE + r * 128, 128)],
                        out_hbm.at[c].at[pl.ds(s * STRIPE + r * 128, 128)])



_R = 1000


def _tc_isd(degp):
    def body(d_ref, o_ref):
        d = d_ref[0:1, :N] + d_ref[1:2, :N]
        o_ref[...] = lax.rsqrt(jnp.maximum(d, 1.0))

    return pl.pallas_call(
        body,
        out_shape=jax.ShapeDtypeStruct((1, N), jnp.float32),
    )(degp)


def _tc_in(x, isd, W):
    def body(x_ref, i_ref, w_ref, o_ref):
        p = x_ref[...] * i_ref[...]
        ub = jnp.dot(p, w_ref[...], preferred_element_type=jnp.float32)
        o_ref[...] = jnp.stack([ub[:, :DH], ub[:, DH:]])

    return pl.pallas_call(
        body,
        grid=(N // _R,),
        in_specs=[
            pl.BlockSpec((_R, D), lambda i: (i, 0)),
            pl.BlockSpec((_R, 1), lambda i: (i, 0)),
            pl.BlockSpec((D, D), lambda i: (0, 0)),
        ],
        out_specs=pl.BlockSpec((NC, _R, DH), lambda i: (0, i, 0)),
        out_shape=jax.ShapeDtypeStruct((NC, N, DH), jnp.float32),
    )(x, isd, W)


def _tc_mid(v, isd, b, W):
    def body(v_ref, i_ref, b_ref, w_ref, o_ref):
        vb = v_ref[...]
        hcat = jnp.concatenate([vb[0], vb[1]], axis=1)
        h = jnp.maximum(hcat * i_ref[...] + b_ref[...], 0.0)
        p = h * i_ref[...]
        ub = jnp.dot(p, w_ref[...], preferred_element_type=jnp.float32)
        o_ref[...] = jnp.stack([ub[:, :DH], ub[:, DH:]])

    return pl.pallas_call(
        body,
        grid=(N // _R,),
        in_specs=[
            pl.BlockSpec((NC, _R, DH), lambda i: (0, i, 0)),
            pl.BlockSpec((_R, 1), lambda i: (i, 0)),
            pl.BlockSpec((1, D), lambda i: (0, 0)),
            pl.BlockSpec((D, D), lambda i: (0, 0)),
        ],
        out_specs=pl.BlockSpec((NC, _R, DH), lambda i: (0, i, 0)),
        out_shape=jax.ShapeDtypeStruct((NC, N, DH), jnp.float32),
    )(v, isd, b, W)


def _tc_out(v, isd, b):
    def body(v_ref, i_ref, b_ref, o_ref):
        vb = v_ref[...]
        hcat = jnp.concatenate([vb[0], vb[1]], axis=1)
        o_ref[...] = jnp.maximum(hcat * i_ref[...] + b_ref[...], 0.0)

    return pl.pallas_call(
        body,
        grid=(N // _R,),
        in_specs=[
            pl.BlockSpec((NC, _R, DH), lambda i: (0, i, 0)),
            pl.BlockSpec((_R, 1), lambda i: (i, 0)),
            pl.BlockSpec((1, D), lambda i: (0, 0)),
        ],
        out_specs=pl.BlockSpec((_R, D), lambda i: (i, 0)),
        out_shape=jax.ShapeDtypeStruct((N, D), jnp.float32),
    )(v, isd, b)



@jax.jit
def kernel(x, edge_index, W1, b1, W2, b2, W3, b3):
    src = edge_index[0]
    dst = edge_index[1]
    srcp = jnp.concatenate([src, jnp.zeros((EPAD - E,), jnp.int32)])
    dstp = jnp.concatenate([dst, jnp.full((EPAD - E,), PAD_DST, jnp.int32)])
    src2d = srcp.reshape(EPAD // 128, 128)
    dst2d = dstp.reshape(EPAD // 128, 128)
    dst2d64 = dstp.reshape(EPAD // 64, 64)
    z1 = jnp.zeros((NPAD,), jnp.float32)
    z2 = jnp.zeros((NPAD, DH), jnp.float32)
    ones2d = jnp.ones((128,), jnp.float32)
    dummy64 = jnp.zeros((64, DH), jnp.float32)

    degp = _sc_degree(dst2d, z1, ones2d)
    isd = _tc_isd(degp).reshape(N, 1)

    u = _tc_in(x, isd, W1)
    v = _sc_spmm(u, srcp, dst2d64, z2, dummy64)
    u = _tc_mid(v, isd, b1.reshape(1, D), W2)
    v = _sc_spmm(u, srcp, dst2d64, z2, dummy64)
    u = _tc_mid(v, isd, b2.reshape(1, D), W3)
    v = _sc_spmm(u, srcp, dst2d64, z2, dummy64)
    return _tc_out(v, isd, b3.reshape(1, D))

# --- scband reference (transcript-rebuilt; emitter-appended) ---
"""Pipeline reference for scband-gcnencoder-33002528703260 (READ-ONLY COPY).

The authoritative reference and input builder live on the scoring server;
editing this copy changes nothing except your own understanding.
"""

import jax, jax.numpy as jnp
import numpy as np

N_NODES = 10000
N_EDGES = 160000
D = 256
L = 3


def setup_inputs(seed: int = 0) -> dict:
    key = jax.random.key(seed)
    ks = jax.random.split(key, 2 + 2 * L)
    x = jax.random.normal(ks[0], (N_NODES, D), dtype=jnp.float32)
    edge_index = jax.random.randint(ks[1], (2, N_EDGES), 0, N_NODES, dtype=jnp.int32)
    inp = {"x": x, "edge_index": edge_index}
    for i in range(L):
        inp[f"W{i+1}"] = jax.random.normal(ks[2 + 2 * i], (D, D), dtype=jnp.float32) * (1.0 / np.sqrt(D))
        inp[f"b{i+1}"] = jnp.zeros((D,), dtype=jnp.float32)
    return inp


def _gcn_layer(x, src, dst, norm, W, b, n_nodes):
    # message: gather source features, scale by symmetric degree norm
    msgs = x[src] * norm
    # aggregate: scatter-add into destination nodes
    agg = jax.ops.segment_sum(msgs, dst, num_segments=n_nodes)
    # linear transform + nonlinearity (dropout is identity in eval mode)
    return jax.nn.relu(agg @ W + b)


def reference(x, edge_index, W1, b1, W2, b2, W3, b3):
    src = edge_index[0]
    dst = edge_index[1]
    n_nodes = x.shape[0]
    deg = jax.ops.segment_sum(jnp.ones_like(src, dtype=x.dtype), dst, num_segments=n_nodes)
    deg = jnp.maximum(deg, 1.0)
    norm = (1.0 / jnp.sqrt(deg[src] * deg[dst]))[:, None]
    for W, b in ((W1, b1), (W2, b2), (W3, b3)):
        x = _gcn_layer(x, src, dst, norm, W, b, n_nodes)
    return x

if __name__ == "__main__":
    import jax
    _d = setup_inputs()
    print(jax.jit(kernel)(*tuple(_d.values())))

</pallas_src>

<mosaic_0001>
#map = affine_map<(d0, d1) -> (0, 0)>
#map1 = affine_map<(d0, d1) -> (0)>
module attributes {stable_mosaic.version = 14 : i64} {
  func.func @_sc_degree(%arg0: i32, %arg1: i32, %arg2: memref<1280x128xi32, #tpu.memory_space<hbm>>, %arg3: memref<10240xf32, #tpu.memory_space<hbm>>, %arg4: memref<128xf32, #tpu.memory_space<hbm>>, %arg5: memref<2x10240xf32, #tpu.memory_space<hbm>>, %arg6: memref<40x128xi32, #tpu.memory_space<vmem>>, %arg7: memref<128xf32, #tpu.memory_space<vmem>>, %arg8: memref<10240xf32, #tpu.memory_space<vmem_shared>>) attributes {dimension_semantics = [#tpu.dimension_semantics<core_parallel>, #tpu.dimension_semantics<subcore_parallel>], iteration_bounds = array<i64: 2, 16>, scalar_prefetch = 0 : i64, scratch_operands = 3 : i64, tpu.core_type = #tpu.core_type<sc_vector_subcore>, window_params = [{transform_indices = #map}, {transform_indices = #map1}, {transform_indices = #map1}, {transform_indices = #map}]} {
    %mul3A = arith.constant 16 : i32
    %mul3A_0 = arith.muli %arg0, %mul3A : i32
    %add3A = arith.addi %mul3A_0, %arg1 : i32
    %mul3A_1 = arith.constant 640 : i32
    %mul3A_2 = arith.muli %arg1, %mul3A_1 : i32
    %mul3A_3 = arith.constant 640 : i32
    %mul3A_4 = arith.muli %arg1, %mul3A_3 : i32
    "tpu.region"() ({
      %run_scoped3A = tpu.sem_alloc : memref<!tpu.dma_semaphore, #tpu.memory_space<semaphore_mem>>
      %dma_start3A = tpu.memref_slice %arg8[%mul3A_4] : memref<10240xf32, #tpu.memory_space<vmem_shared>> -> memref<640xf32, #tpu.memory_space<vmem_shared>>
      %dma_start3A_16 = tpu.memref_slice %arg3[%mul3A_2] : memref<10240xf32, #tpu.memory_space<hbm>> -> memref<640xf32, #tpu.memory_space<hbm>>
      tpu.enqueue_dma source(%dma_start3A_16 : memref<640xf32, #tpu.memory_space<hbm>>) target(%dma_start3A : memref<640xf32, #tpu.memory_space<vmem_shared>>) target_semaphore(%run_scoped3A : memref<!tpu.dma_semaphore, #tpu.memory_space<semaphore_mem>>)
      %dma_wait3A = tpu.memref_slice %arg8[%mul3A_4] : memref<10240xf32, #tpu.memory_space<vmem_shared>> -> memref<640xf32, #tpu.memory_space<vmem_shared>>
      %dma_wait3A_17 = tpu.memref_slice %arg3[%mul3A_2] : memref<10240xf32, #tpu.memory_space<hbm>> -> memref<640xf32, #tpu.memory_space<hbm>>
      tpu.wait_dma2 semaphore(%run_scoped3A : memref<!tpu.dma_semaphore, #tpu.memory_space<semaphore_mem>>) src(%dma_wait3A_17 : memref<640xf32, #tpu.memory_space<hbm>>) dst(%dma_wait3A : memref<640xf32, #tpu.memory_space<vmem_shared>>)
      tpu.yield
    }) : () -> ()
    %mul3A_5 = arith.constant 40 : i32
    %mul3A_6 = arith.muli %add3A, %mul3A_5 : i32
    "tpu.region"() ({
      %run_scoped3A = tpu.sem_alloc : memref<!tpu.dma_semaphore, #tpu.memory_space<semaphore_mem>>
      %dma_start3A = arith.constant 0 : i32
      %dma_start3A_16 = tpu.memref_slice %arg2[%mul3A_6, %dma_start3A] : memref<1280x128xi32, #tpu.memory_space<hbm>> -> memref<40x128xi32, #tpu.memory_space<hbm>>
      %dma_start3A_17 = arith.constant 0 : i32
      %dma_start3A_18 = tpu.memref_slice %arg2[%mul3A_6, %dma_start3A_17] : memref<1280x128xi32, #tpu.memory_space<hbm>> -> memref<40x128xi32, #tpu.memory_space<hbm>>
      tpu.enqueue_dma source(%dma_start3A_18 : memref<40x128xi32, #tpu.memory_space<hbm>>) target(%arg6 : memref<40x128xi32, #tpu.memory_space<vmem>>) target_semaphore(%run_scoped3A : memref<!tpu.dma_semaphore, #tpu.memory_space<semaphore_mem>>)
      %dma_wait3A = arith.constant 0 : i32
      %dma_wait3A_19 = tpu.memref_slice %arg2[%mul3A_6, %dma_wait3A] : memref<1280x128xi32, #tpu.memory_space<hbm>> -> memref<40x128xi32, #tpu.memory_space<hbm>>
      %dma_wait3A_20 = arith.constant 0 : i32
      %dma_wait3A_21 = tpu.memref_slice %arg2[%mul3A_6, %dma_wait3A_20] : memref<1280x128xi32, #tpu.memory_space<hbm>> -> memref<40x128xi32, #tpu.memory_space<hbm>>
      tpu.wait_dma2 semaphore(%run_scoped3A : memref<!tpu.dma_semaphore, #tpu.memory_space<semaphore_mem>>) src(%dma_wait3A_21 : memref<40x128xi32, #tpu.memory_space<hbm>>) dst(%arg6 : memref<40x128xi32, #tpu.memory_space<vmem>>)
      tpu.yield
    }) : () -> ()
    "tpu.region"() ({
      %run_scoped3A = tpu.sem_alloc : memref<!tpu.dma_semaphore, #tpu.memory_space<semaphore_mem>>
      tpu.enqueue_dma source(%arg4 : memref<128xf32, #tpu.memory_space<hbm>>) target(%arg7 : memref<128xf32, #tpu.memory_space<vmem>>) target_semaphore(%run_scoped3A : memref<!tpu.dma_semaphore, #tpu.memory_space<semaphore_mem>>)
      tpu.wait_dma2 semaphore(%run_scoped3A : memref<!tpu.dma_semaphore, #tpu.memory_space<semaphore_mem>>) src(%arg4 : memref<128xf32, #tpu.memory_space<hbm>>) dst(%arg7 : memref<128xf32, #tpu.memory_space<vmem>>)
      tpu.yield
    }) : () -> ()
    %barrier3A = arith.constant 0 : index
    tpu.barrier barrier_id(%barrier3A)
    %scan3A = arith.constant 0 : i32
    %scan3A_7 = arith.constant 40 : i32
    %scan3A_8 = arith.addi %scan3A, %scan3A_7 : i32
    %scan3A_9 = arith.constant 1 : i32
    scf.for %scan3A_16 = %scan3A to %scan3A_8 step %scan3A_9  : i32 {
      %mul3A_17 = arith.constant 1 : i32
      %mul3A_18 = arith.muli %scan3A_16, %mul3A_17 : i32
      %add3A_19 = arith.constant 0 : i32
      %add3A_20 = arith.addi %add3A_19, %mul3A_18 : i32
      "tpu.region"() ({
        %run_scoped3A = tpu.sem_alloc : memref<!tpu.dma_semaphore, #tpu.memory_space<semaphore_mem>>
        %dma_start3A = arith.constant 0 : i32
        %dma_start3A_21 = tpu.memref_slice %arg6[%add3A_20, %dma_start3A] : memref<40x128xi32, #tpu.memory_space<vmem>> -> memref<1x128xi32, #tpu.memory_space<vmem>>
        %dma_start3A_22 = tpu.memref_squeeze %dma_start3A_21 : memref<1x128xi32, #tpu.memory_space<vmem>> -> memref<128xi32, #tpu.memory_space<vmem>>
        %dma_start3A_23 = arith.constant 0 : i32
        %dma_start3A_24 = tpu.memref_slice %arg8[%dma_start3A_23] : memref<10240xf32, #tpu.memory_space<vmem_shared>> -> memref<10240xf32, #tpu.memory_space<vmem_shared>>
        tpu.enqueue_indirect_dma source(%arg7 : memref<128xf32, #tpu.memory_space<vmem>>) target(%dma_start3A_24 : memref<10240xf32, #tpu.memory_space<vmem_shared>>) offsets(%dma_start3A_22 : memref<128xi32, #tpu.memory_space<vmem>>) semaphore(%run_scoped3A : memref<!tpu.dma_semaphore, #tpu.memory_space<semaphore_mem>>) {add = true}
        %dma_wait3A = arith.constant 0 : i32
        %dma_wait3A_25 = tpu.memref_slice %arg6[%add3A_20, %dma_wait3A] : memref<40x128xi32, #tpu.memory_space<vmem>> -> memref<1x128xi32, #tpu.memory_space<vmem>>
        %dma_wait3A_26 = tpu.memref_squeeze %dma_wait3A_25 : memref<1x128xi32, #tpu.memory_space<vmem>> -> memref<128xi32, #tpu.memory_space<vmem>>
        %dma_wait3A_27 = arith.constant 0 : i32
        %dma_wait3A_28 = tpu.memref_slice %arg8[%dma_wait3A_27] : memref<10240xf32, #tpu.memory_space<vmem_shared>> -> memref<10240xf32, #tpu.memory_space<vmem_shared>>
        tpu.wait_indirect_dma semaphore(%run_scoped3A : memref<!tpu.dma_semaphore, #tpu.memory_space<semaphore_mem>>) src(%arg7 : memref<128xf32, #tpu.memory_space<vmem>>) dst(%dma_wait3A_28 : memref<10240xf32, #tpu.memory_space<vmem_shared>>)
        tpu.yield
      }) : () -> ()
    }
    %scan3A_10 = arith.constant 40 : i32
    %barrier3A_11 = arith.constant 0 : index
    tpu.barrier barrier_id(%barrier3A_11)
    %mul3A_12 = arith.constant 640 : i32
    %mul3A_13 = arith.muli %arg1, %mul3A_12 : i32
    %mul3A_14 = arith.constant 640 : i32
    %mul3A_15 = arith.muli %arg1, %mul3A_14 : i32
    "tpu.region"() ({
      %run_scoped3A = tpu.sem_alloc : memref<!tpu.dma_semaphore, #tpu.memory_space<semaphore_mem>>
      %dma_start3A = arith.constant 0 : i32
      %dma_start3A_16 = tpu.memref_slice %arg5[%arg0, %dma_start3A] : memref<2x10240xf32, #tpu.memory_space<hbm>> -> memref<1x10240xf32, #tpu.memory_space<hbm>>
      %dma_start3A_17 = tpu.memref_squeeze %dma_start3A_16 : memref<1x10240xf32, #tpu.memory_space<hbm>> -> memref<10240xf32, #tpu.memory_space<hbm>>
      %dma_start3A_18 = tpu.memref_slice %dma_start3A_17[%mul3A_15] : memref<10240xf32, #tpu.memory_space<hbm>> -> memref<640xf32, #tpu.memory_space<hbm>>
      %dma_start3A_19 = tpu.memref_slice %arg8[%mul3A_13] : memref<10240xf32, #tpu.memory_space<vmem_shared>> -> memref<640xf32, #tpu.memory_space<vmem_shared>>
      tpu.enqueue_dma source(%dma_start3A_19 : memref<640xf32, #tpu.memory_space<vmem_shared>>) target(%dma_start3A_18 : memref<640xf32, #tpu.memory_space<hbm>>) target_semaphore(%run_scoped3A : memref<!tpu.dma_semaphore, #tpu.memory_space<semaphore_mem>>)
      %dma_wait3A = arith.constant 0 : i32
      %dma_wait3A_20 = tpu.memref_slice %arg5[%arg0, %dma_wait3A] : memref<2x10240xf32, #tpu.memory_space<hbm>> -> memref<1x10240xf32, #tpu.memory_space<hbm>>
      %dma_wait3A_21 = tpu.memref_squeeze %dma_wait3A_20 : memref<1x10240xf32, #tpu.memory_space<hbm>> -> memref<10240xf32, #tpu.memory_space<hbm>>
      %dma_wait3A_22 = tpu.memref_slice %dma_wait3A_21[%mul3A_15] : memref<10240xf32, #tpu.memory_space<hbm>> -> memref<640xf32, #tpu.memory_space<hbm>>
      %dma_wait3A_23 = tpu.memref_slice %arg8[%mul3A_13] : memref<10240xf32, #tpu.memory_space<vmem_shared>> -> memref<640xf32, #tpu.memory_space<vmem_shared>>
      tpu.wait_dma2 semaphore(%run_scoped3A : memref<!tpu.dma_semaphore, #tpu.memory_space<semaphore_mem>>) src(%dma_wait3A_23 : memref<640xf32, #tpu.memory_space<vmem_shared>>) dst(%dma_wait3A_22 : memref<640xf32, #tpu.memory_space<hbm>>)
      tpu.yield
    }) : () -> ()
    return
  }
}

#map = affine_map<(d0, d1) -> (0, 0, 0)>
#map1 = affine_map<(d0, d1) -> (0)>
#map2 = affine_map<(d0, d1) -> (0, 0)>
module attributes {stable_mosaic.version = 14 : i64} {
  func.func @_sc_spmm(%arg0: i32, %arg1: i32, %arg2: memref<2x10000x128xf32, #tpu.memory_space<hbm>>, %arg3: memref<163840xi32, #tpu.memory_space<hbm>>, %arg4: memref<2560x64xi32, #tpu.memory_space<hbm>>, %arg5: memref<10240x128xf32, #tpu.memory_space<hbm>>, %arg6: memref<64x128xf32, #tpu.memory_space<hbm>>, %arg7: memref<2x10240x128xf32, #tpu.memory_space<hbm>>, %arg8: memref<10240xi32, #tpu.memory_space<vmem>>, %arg9: memref<160x64xi32, #tpu.memory_space<vmem>>, %arg10: memref<64x128xf32, #tpu.memory_space<vmem>>, %arg11: memref<64x128xf32, #tpu.memory_space<vmem>>, %arg12: memref<10240x128xf32, #tpu.memory_space<vmem_shared>>, %arg13: memref<!tpu.dma_semaphore, #tpu.memory_space<semaphore_mem>>, %arg14: memref<!tpu.dma_semaphore, #tpu.memory_space<semaphore_mem>>) attributes {dimension_semantics = [#tpu.dimension_semantics<core_parallel>, #tpu.dimension_semantics<subcore_parallel>], iteration_bounds = array<i64: 2, 16>, scalar_prefetch = 0 : i64, scratch_operands = 7 : i64, tpu.core_type = #tpu.core_type<sc_vector_subcore>, window_params = [{transform_indices = #map}, {transform_indices = #map1}, {transform_indices = #map2}, {transform_indices = #map2}, {transform_indices = #map2}, {transform_indices = #map}]} {
    %scan3A = arith.constant 0 : i32
    %scan3A_0 = arith.constant 5 : i32
    %scan3A_1 = arith.addi %scan3A, %scan3A_0 : i32
    %scan3A_2 = arith.constant 1 : i32
    scf.for %scan3A_28 = %scan3A to %scan3A_1 step %scan3A_2  : i32 {
      %mul3A_29 = arith.constant 1 : i32
      %mul3A_30 = arith.muli %scan3A_28, %mul3A_29 : i32
      %add3A = arith.constant 0 : i32
      %add3A_31 = arith.addi %add3A, %mul3A_30 : i32
      %mul3A_32 = arith.constant 640 : i32
      %mul3A_33 = arith.muli %arg1, %mul3A_32 : i32
      %mul3A_34 = arith.constant 128 : i32
      %mul3A_35 = arith.muli %add3A_31, %mul3A_34 : i32
      %add3A_36 = arith.addi %mul3A_33, %mul3A_35 : i32
      %mul3A_37 = arith.constant 640 : i32
      %mul3A_38 = arith.muli %arg1, %mul3A_37 : i32
      %mul3A_39 = arith.constant 128 : i32
      %mul3A_40 = arith.muli %add3A_31, %mul3A_39 : i32
      %add3A_41 = arith.addi %mul3A_38, %mul3A_40 : i32
      "tpu.region"() ({
        %run_scoped3A = tpu.sem_alloc : memref<!tpu.dma_semaphore, #tpu.memory_space<semaphore_mem>>
        %dma_start3A_42 = arith.constant 0 : i32
        %dma_start3A_43 = tpu.memref_slice %arg12[%add3A_41, %dma_start3A_42] : memref<10240x128xf32, #tpu.memory_space<vmem_shared>> -> memref<128x128xf32, #tpu.memory_space<vmem_shared>>
        %dma_start3A_44 = arith.constant 0 : i32
        %dma_start3A_45 = tpu.memref_slice %arg5[%add3A_36, %dma_start3A_44] : memref<10240x128xf32, #tpu.memory_space<hbm>> -> memref<128x128xf32, #tpu.memory_space<hbm>>
        tpu.enqueue_dma source(%dma_start3A_45 : memref<128x128xf32, #tpu.memory_space<hbm>>) target(%dma_start3A_43 : memref<128x128xf32, #tpu.memory_space<vmem_shared>>) target_semaphore(%run_scoped3A : memref<!tpu.dma_semaphore, #tpu.memory_space<semaphore_mem>>)
        %dma_wait3A = arith.constant 0 : i32
        %dma_wait3A_46 = tpu.memref_slice %arg12[%add3A_41, %dma_wait3A] : memref<10240x128xf32, #tpu.memory_space<vmem_shared>> -> memref<128x128xf32, #tpu.memory_space<vmem_shared>>
        %dma_wait3A_47 = arith.constant 0 : i32
        %dma_wait3A_48 = tpu.memref_slice %arg5[%add3A_36, %dma_wait3A_47] : memref<10240x128xf32, #tpu.memory_space<hbm>> -> memref<128x128xf32, #tpu.memory_space<hbm>>
        tpu.wait_dma2 semaphore(%run_scoped3A : memref<!tpu.dma_semaphore, #tpu.memory_space<semaphore_mem>>) src(%dma_wait3A_48 : memref<128x128xf32, #tpu.memory_space<hbm>>) dst(%dma_wait3A_46 : memref<128x128xf32, #tpu.memory_space<vmem_shared>>)
        tpu.yield
      }) : () -> ()
    }
    %scan3A_3 = arith.constant 5 : i32
    %mul3A = arith.constant 10240 : i32
    %mul3A_4 = arith.muli %arg1, %mul3A : i32
    "tpu.region"() ({
      %run_scoped3A = tpu.sem_alloc : memref<!tpu.dma_semaphore, #tpu.memory_space<semaphore_mem>>
      %dma_start3A_28 = tpu.memref_slice %arg3[%mul3A_4] : memref<163840xi32, #tpu.memory_space<hbm>> -> memref<10240xi32, #tpu.memory_space<hbm>>
      %dma_start3A_29 = tpu.memref_slice %arg3[%mul3A_4] : memref<163840xi32, #tpu.memory_space<hbm>> -> memref<10240xi32, #tpu.memory_space<hbm>>
      tpu.enqueue_dma source(%dma_start3A_29 : memref<10240xi32, #tpu.memory_space<hbm>>) target(%arg8 : memref<10240xi32, #tpu.memory_space<vmem>>) target_semaphore(%run_scoped3A : memref<!tpu.dma_semaphore, #tpu.memory_space<semaphore_mem>>)
      %dma_wait3A = tpu.memref_slice %arg3[%mul3A_4] : memref<163840xi32, #tpu.memory_space<hbm>> -> memref<10240xi32, #tpu.memory_space<hbm>>
      %dma_wait3A_30 = tpu.memref_slice %arg3[%mul3A_4] : memref<163840xi32, #tpu.memory_space<hbm>> -> memref<10240xi32, #tpu.memory_space<hbm>>
      tpu.wait_dma2 semaphore(%run_scoped3A : memref<!tpu.dma_semaphore, #tpu.memory_space<semaphore_mem>>) src(%dma_wait3A_30 : memref<10240xi32, #tpu.memory_space<hbm>>) dst(%arg8 : memref<10240xi32, #tpu.memory_space<vmem>>)
      tpu.yield
    }) : () -> ()
    %mul3A_5 = arith.constant 80 : i32
    %mul3A_6 = arith.muli %arg1, %mul3A_5 : i32
    %mul3A_7 = arith.constant 2 : i32
    %mul3A_8 = arith.muli %mul3A_6, %mul3A_7 : i32
    "tpu.region"() ({
      %run_scoped3A = tpu.sem_alloc : memref<!tpu.dma_semaphore, #tpu.memory_space<semaphore_mem>>
      %dma_start3A_28 = arith.constant 0 : i32
      %dma_start3A_29 = tpu.memref_slice %arg4[%mul3A_8, %dma_start3A_28] : memref<2560x64xi32, #tpu.memory_space<hbm>> -> memref<160x64xi32, #tpu.memory_space<hbm>>
      %dma_start3A_30 = arith.constant 0 : i32
      %dma_start3A_31 = tpu.memref_slice %arg4[%mul3A_8, %dma_start3A_30] : memref<2560x64xi32, #tpu.memory_space<hbm>> -> memref<160x64xi32, #tpu.memory_space<hbm>>
      tpu.enqueue_dma source(%dma_start3A_31 : memref<160x64xi32, #tpu.memory_space<hbm>>) target(%arg9 : memref<160x64xi32, #tpu.memory_space<vmem>>) target_semaphore(%run_scoped3A : memref<!tpu.dma_semaphore, #tpu.memory_space<semaphore_mem>>)
      %dma_wait3A = arith.constant 0 : i32
      %dma_wait3A_32 = tpu.memref_slice %arg4[%mul3A_8, %dma_wait3A] : memref<2560x64xi32, #tpu.memory_space<hbm>> -> memref<160x64xi32, #tpu.memory_space<hbm>>
      %dma_wait3A_33 = arith.constant 0 : i32
      %dma_wait3A_34 = tpu.memref_slice %arg4[%mul3A_8, %dma_wait3A_33] : memref<2560x64xi32, #tpu.memory_space<hbm>> -> memref<160x64xi32, #tpu.memory_space<hbm>>
      tpu.wait_dma2 semaphore(%run_scoped3A : memref<!tpu.dma_semaphore, #tpu.memory_space<semaphore_mem>>) src(%dma_wait3A_34 : memref<160x64xi32, #tpu.memory_space<hbm>>) dst(%arg9 : memref<160x64xi32, #tpu.memory_space<vmem>>)
      tpu.yield
    }) : () -> ()
    %barrier3A = arith.constant 0 : index
    tpu.barrier barrier_id(%barrier3A)
    %dma_start3A = arith.constant 0 : i32
    %dma_start3A_9 = tpu.memref_slice %arg8[%dma_start3A] : memref<10240xi32, #tpu.memory_space<vmem>> -> memref<64xi32, #tpu.memory_space<vmem>>
    %dma_start3A_10 = arith.constant 0 : i32
    %dma_start3A_11 = arith.constant 0 : i32
    %dma_start3A_12 = tpu.memref_slice %arg2[%arg0, %dma_start3A_10, %dma_start3A_11] : memref<2x10000x128xf32, #tpu.memory_space<hbm>> -> memref<1x10000x128xf32, #tpu.memory_space<hbm>>
    %dma_start3A_13 = tpu.memref_squeeze %dma_start3A_12 : memref<1x10000x128xf32, #tpu.memory_space<hbm>> -> memref<10000x128xf32, #tpu.memory_space<hbm>>
    %dma_start3A_14 = arith.constant 0 : i32
    %dma_start3A_15 = arith.constant 0 : i32
    %dma_start3A_16 = tpu.memref_slice %dma_start3A_13[%dma_start3A_14, %dma_start3A_15] : memref<10000x128xf32, #tpu.memory_space<hbm>> -> memref<10000x128xf32, #tpu.memory_space<hbm>>
    tpu.enqueue_indirect_dma source(%dma_start3A_16 : memref<10000x128xf32, #tpu.memory_space<hbm>>) target(%arg10 : memref<64x128xf32, #tpu.memory_space<vmem>>) offsets(%dma_start3A_9 : memref<64xi32, #tpu.memory_space<vmem>>) semaphore(%arg13 : memref<!tpu.dma_semaphore, #tpu.memory_space<semaphore_mem>>)
    %scan3A_17 = arith.constant 0 : i32
    %scan3A_18 = arith.constant 80 : i32
    %scan3A_19 = arith.addi %scan3A_17, %scan3A_18 : i32
    %scan3A_20 = arith.constant 1 : i32
    scf.for %scan3A_28 = %scan3A_17 to %scan3A_19 step %scan3A_20  : i32 {
      %mul3A_29 = arith.constant 1 : i32
      %mul3A_30 = arith.muli %scan3A_28, %mul3A_29 : i32
      %add3A = arith.constant 0 : i32
      %add3A_31 = arith.addi %add3A, %mul3A_30 : i32
      %mul3A_32 = arith.constant 2 : i32
      %mul3A_33 = arith.muli %add3A_31, %mul3A_32 : i32
      %add3A_34 = arith.constant 1 : i32
      %add3A_35 = arith.addi %mul3A_33, %add3A_34 : i32
      %mul3A_36 = arith.constant 64 : i32
      %mul3A_37 = arith.muli %add3A_35, %mul3A_36 : i32
      %dma_start3A_38 = tpu.memref_slice %arg8[%mul3A_37] : memref<10240xi32, #tpu.memory_space<vmem>> -> memref<64xi32, #tpu.memory_space<vmem>>
      %dma_start3A_39 = arith.constant 0 : i32
      %dma_start3A_40 = arith.constant 0 : i32
      %dma_start3A_41 = tpu.memref_slice %arg2[%arg0, %dma_start3A_39, %dma_start3A_40] : memref<2x10000x128xf32, #tpu.memory_space<hbm>> -> memref<1x10000x128xf32, #tpu.memory_space<hbm>>
      %dma_start3A_42 = tpu.memref_squeeze %dma_start3A_41 : memref<1x10000x128xf32, #tpu.memory_space<hbm>> -> memref<10000x128xf32, #tpu.memory_space<hbm>>
      %dma_start3A_43 = arith.constant 0 : i32
      %dma_start3A_44 = arith.constant 0 : i32
      %dma_start3A_45 = tpu.memref_slice %dma_start3A_42[%dma_start3A_43, %dma_start3A_44] : memref<10000x128xf32, #tpu.memory_space<hbm>> -> memref<10000x128xf32, #tpu.memory_space<hbm>>
      tpu.enqueue_indirect_dma source(%dma_start3A_45 : memref<10000x128xf32, #tpu.memory_space<hbm>>) target(%arg11 : memref<64x128xf32, #tpu.memory_space<vmem>>) offsets(%dma_start3A_38 : memref<64xi32, #tpu.memory_space<vmem>>) semaphore(%arg14 : memref<!tpu.dma_semaphore, #tpu.memory_space<semaphore_mem>>)
      tpu.wait_dma2 semaphore(%arg13 : memref<!tpu.dma_semaphore, #tpu.memory_space<semaphore_mem>>) src(%arg6 : memref<64x128xf32, #tpu.memory_space<hbm>>) dst(%arg10 : memref<64x128xf32, #tpu.memory_space<vmem>>)
      "tpu.region"() ({
        %run_scoped3A = tpu.sem_alloc : memref<!tpu.dma_semaphore, #tpu.memory_space<semaphore_mem>>
        %dma_start3A_50 = arith.constant 0 : i32
        %dma_start3A_51 = tpu.memref_slice %arg9[%mul3A_33, %dma_start3A_50] : memref<160x64xi32, #tpu.memory_space<vmem>> -> memref<1x64xi32, #tpu.memory_space<vmem>>
        %dma_start3A_52 = tpu.memref_squeeze %dma_start3A_51 : memref<1x64xi32, #tpu.memory_space<vmem>> -> memref<64xi32, #tpu.memory_space<vmem>>
        %dma_start3A_53 = arith.constant 0 : i32
        %dma_start3A_54 = arith.constant 0 : i32
        %dma_start3A_55 = tpu.memref_slice %arg12[%dma_start3A_53, %dma_start3A_54] : memref<10240x128xf32, #tpu.memory_space<vmem_shared>> -> memref<10240x128xf32, #tpu.memory_space<vmem_shared>>
        tpu.enqueue_indirect_dma source(%arg10 : memref<64x128xf32, #tpu.memory_space<vmem>>) target(%dma_start3A_55 : memref<10240x128xf32, #tpu.memory_space<vmem_shared>>) offsets(%dma_start3A_52 : memref<64xi32, #tpu.memory_space<vmem>>) semaphore(%run_scoped3A : memref<!tpu.dma_semaphore, #tpu.memory_space<semaphore_mem>>) {add = true}
        %dma_wait3A = arith.constant 0 : i32
        %dma_wait3A_56 = tpu.memref_slice %arg9[%mul3A_33, %dma_wait3A] : memref<160x64xi32, #tpu.memory_space<vmem>> -> memref<1x64xi32, #tpu.memory_space<vmem>>
        %dma_wait3A_57 = tpu.memref_squeeze %dma_wait3A_56 : memref<1x64xi32, #tpu.memory_space<vmem>> -> memref<64xi32, #tpu.memory_space<vmem>>
        %dma_wait3A_58 = arith.constant 0 : i32
        %dma_wait3A_59 = arith.constant 0 : i32
        %dma_wait3A_60 = tpu.memref_slice %arg12[%dma_wait3A_58, %dma_wait3A_59] : memref<10240x128xf32, #tpu.memory_space<vmem_shared>> -> memref<10240x128xf32, #tpu.memory_space<vmem_shared>>
        tpu.wait_indirect_dma semaphore(%run_scoped3A : memref<!tpu.dma_semaphore, #tpu.memory_space<semaphore_mem>>) src(%arg10 : memref<64x128xf32, #tpu.memory_space<vmem>>) dst(%dma_wait3A_60 : memref<10240x128xf32, #tpu.memory_space<vmem_shared>>)
        tpu.yield
      }) : () -> ()
      %lt3A = arith.constant 79 : i32
      %lt3A_46 = arith.cmpi slt, %add3A_31, %lt3A : i32
      %convert_element_type3A = arith.extui %lt3A_46 : i1 to i32
      %cond3A = arith.constant 0 : i32
      %cond3A_47 = arith.cmpi ne, %convert_element_type3A, %cond3A : i32
      scf.if %cond3A_47 {
        %add3A_50 = arith.constant 2 : i32
        %add3A_51 = arith.addi %mul3A_33, %add3A_50 : i32
        %mul3A_52 = arith.constant 64 : i32
        %mul3A_53 = arith.muli %add3A_51, %mul3A_52 : i32
        %dma_start3A_54 = tpu.memref_slice %arg8[%mul3A_53] : memref<10240xi32, #tpu.memory_space<vmem>> -> memref<64xi32, #tpu.memory_space<vmem>>
        %dma_start3A_55 = arith.constant 0 : i32
        %dma_start3A_56 = arith.constant 0 : i32
        %dma_start3A_57 = tpu.memref_slice %arg2[%arg0, %dma_start3A_55, %dma_start3A_56] : memref<2x10000x128xf32, #tpu.memory_space<hbm>> -> memref<1x10000x128xf32, #tpu.memory_space<hbm>>
        %dma_start3A_58 = tpu.memref_squeeze %dma_start3A_57 : memref<1x10000x128xf32, #tpu.memory_space<hbm>> -> memref<10000x128xf32, #tpu.memory_space<hbm>>
        %dma_start3A_59 = arith.constant 0 : i32
        %dma_start3A_60 = arith.constant 0 : i32
        %dma_start3A_61 = tpu.memref_slice %dma_start3A_58[%dma_start3A_59, %dma_start3A_60] : memref<10000x128xf32, #tpu.memory_space<hbm>> -> memref<10000x128xf32, #tpu.memory_space<hbm>>
        tpu.enqueue_indirect_dma source(%dma_start3A_61 : memref<10000x128xf32, #tpu.memory_space<hbm>>) target(%arg10 : memref<64x128xf32, #tpu.memory_space<vmem>>) offsets(%dma_start3A_54 : memref<64xi32, #tpu.memory_space<vmem>>) semaphore(%arg13 : memref<!tpu.dma_semaphore, #tpu.memory_space<semaphore_mem>>)
      } else {
      }
      tpu.wait_dma2 semaphore(%arg14 : memref<!tpu.dma_semaphore, #tpu.memory_space<semaphore_mem>>) src(%arg6 : memref<64x128xf32, #tpu.memory_space<hbm>>) dst(%arg11 : memref<64x128xf32, #tpu.memory_space<vmem>>)
      %add3A_48 = arith.constant 1 : i32
      %add3A_49 = arith.addi %mul3A_33, %add3A_48 : i32
      "tpu.region"() ({
        %run_scoped3A = tpu.sem_alloc : memref<!tpu.dma_semaphore, #tpu.memory_space<semaphore_mem>>
        %dma_start3A_50 = arith.constant 0 : i32
        %dma_start3A_51 = tpu.memref_slice %arg9[%add3A_49, %dma_start3A_50] : memref<160x64xi32, #tpu.memory_space<vmem>> -> memref<1x64xi32, #tpu.memory_space<vmem>>
        %dma_start3A_52 = tpu.memref_squeeze %dma_start3A_51 : memref<1x64xi32, #tpu.memory_space<vmem>> -> memref<64xi32, #tpu.memory_space<vmem>>
        %dma_start3A_53 = arith.constant 0 : i32
        %dma_start3A_54 = arith.constant 0 : i32
        %dma_start3A_55 = tpu.memref_slice %arg12[%dma_start3A_53, %dma_start3A_54] : memref<10240x128xf32, #tpu.memory_space<vmem_shared>> -> memref<10240x128xf32, #tpu.memory_space<vmem_shared>>
        tpu.enqueue_indirect_dma source(%arg11 : memref<64x128xf32, #tpu.memory_space<vmem>>) target(%dma_start3A_55 : memref<10240x128xf32, #tpu.memory_space<vmem_shared>>) offsets(%dma_start3A_52 : memref<64xi32, #tpu.memory_space<vmem>>) semaphore(%run_scoped3A : memref<!tpu.dma_semaphore, #tpu.memory_space<semaphore_mem>>) {add = true}
        %dma_wait3A = arith.constant 0 : i32
        %dma_wait3A_56 = tpu.memref_slice %arg9[%add3A_49, %dma_wait3A] : memref<160x64xi32, #tpu.memory_space<vmem>> -> memref<1x64xi32, #tpu.memory_space<vmem>>
        %dma_wait3A_57 = tpu.memref_squeeze %dma_wait3A_56 : memref<1x64xi32, #tpu.memory_space<vmem>> -> memref<64xi32, #tpu.memory_space<vmem>>
        %dma_wait3A_58 = arith.constant 0 : i32
        %dma_wait3A_59 = arith.constant 0 : i32
        %dma_wait3A_60 = tpu.memref_slice %arg12[%dma_wait3A_58, %dma_wait3A_59] : memref<10240x128xf32, #tpu.memory_space<vmem_shared>> -> memref<10240x128xf32, #tpu.memory_space<vmem_shared>>
        tpu.wait_indirect_dma semaphore(%run_scoped3A : memref<!tpu.dma_semaphore, #tpu.memory_space<semaphore_mem>>) src(%arg11 : memref<64x128xf32, #tpu.memory_space<vmem>>) dst(%dma_wait3A_60 : memref<10240x128xf32, #tpu.memory_space<vmem_shared>>)
        tpu.yield
      }) : () -> ()
    }
    %scan3A_21 = arith.constant 80 : i32
    %barrier3A_22 = arith.constant 0 : index
    tpu.barrier barrier_id(%barrier3A_22)
    %scan3A_23 = arith.constant 0 : i32
    %scan3A_24 = arith.constant 5 : i32
    %scan3A_25 = arith.addi %scan3A_23, %scan3A_24 : i32
    %scan3A_26 = arith.constant 1 : i32
    scf.for %scan3A_28 = %scan3A_23 to %scan3A_25 step %scan3A_26  : i32 {
      %mul3A_29 = arith.constant 1 : i32
      %mul3A_30 = arith.muli %scan3A_28, %mul3A_29 : i32
      %add3A = arith.constant 0 : i32
      %add3A_31 = arith.addi %add3A, %mul3A_30 : i32
      %mul3A_32 = arith.constant 640 : i32
      %mul3A_33 = arith.muli %arg1, %mul3A_32 : i32
      %mul3A_34 = arith.constant 128 : i32
      %mul3A_35 = arith.muli %add3A_31, %mul3A_34 : i32
      %add3A_36 = arith.addi %mul3A_33, %mul3A_35 : i32
      %mul3A_37 = arith.constant 640 : i32
      %mul3A_38 = arith.muli %arg1, %mul3A_37 : i32
      %mul3A_39 = arith.constant 128 : i32
      %mul3A_40 = arith.muli %add3A_31, %mul3A_39 : i32
      %add3A_41 = arith.addi %mul3A_38, %mul3A_40 : i32
      "tpu.region"() ({
        %run_scoped3A = tpu.sem_alloc : memref<!tpu.dma_semaphore, #tpu.memory_space<semaphore_mem>>
        %dma_start3A_42 = arith.constant 0 : i32
        %dma_start3A_43 = arith.constant 0 : i32
        %dma_start3A_44 = tpu.memref_slice %arg7[%arg0, %dma_start3A_42, %dma_start3A_43] : memref<2x10240x128xf32, #tpu.memory_space<hbm>> -> memref<1x10240x128xf32, #tpu.memory_space<hbm>>
        %dma_start3A_45 = tpu.memref_squeeze %dma_start3A_44 : memref<1x10240x128xf32, #tpu.memory_space<hbm>> -> memref<10240x128xf32, #tpu.memory_space<hbm>>
        %dma_start3A_46 = arith.constant 0 : i32
        %dma_start3A_47 = tpu.memref_slice %dma_start3A_45[%add3A_41, %dma_start3A_46] : memref<10240x128xf32, #tpu.memory_space<hbm>> -> memref<128x128xf32, #tpu.memory_space<hbm>>
        %dma_start3A_48 = arith.constant 0 : i32
        %dma_start3A_49 = tpu.memref_slice %arg12[%add3A_36, %dma_start3A_48] : memref<10240x128xf32, #tpu.memory_space<vmem_shared>> -> memref<128x128xf32, #tpu.memory_space<vmem_shared>>
        tpu.enqueue_dma source(%dma_start3A_49 : memref<128x128xf32, #tpu.memory_space<vmem_shared>>) target(%dma_start3A_47 : memref<128x128xf32, #tpu.memory_space<hbm>>) target_semaphore(%run_scoped3A : memref<!tpu.dma_semaphore, #tpu.memory_space<semaphore_mem>>)
        %dma_wait3A = arith.constant 0 : i32
        %dma_wait3A_50 = arith.constant 0 : i32
        %dma_wait3A_51 = tpu.memref_slice %arg7[%arg0, %dma_wait3A, %dma_wait3A_50] : memref<2x10240x128xf32, #tpu.memory_space<hbm>> -> memref<1x10240x128xf32, #tpu.memory_space<hbm>>
        %dma_wait3A_52 = tpu.memref_squeeze %dma_wait3A_51 : memref<1x10240x128xf32, #tpu.memory_space<hbm>> -> memref<10240x128xf32, #tpu.memory_space<hbm>>
        %dma_wait3A_53 = arith.constant 0 : i32
        %dma_wait3A_54 = tpu.memref_slice %dma_wait3A_52[%add3A_41, %dma_wait3A_53] : memref<10240x128xf32, #tpu.memory_space<hbm>> -> memref<128x128xf32, #tpu.memory_space<hbm>>
        %dma_wait3A_55 = arith.constant 0 : i32
        %dma_wait3A_56 = tpu.memref_slice %arg12[%add3A_36, %dma_wait3A_55] : memref<10240x128xf32, #tpu.memory_space<vmem_shared>> -> memref<128x128xf32, #tpu.memory_space<vmem_shared>>
        tpu.wait_dma2 semaphore(%run_scoped3A : memref<!tpu.dma_semaphore, #tpu.memory_space<semaphore_mem>>) src(%dma_wait3A_56 : memref<128x128xf32, #tpu.memory_space<vmem_shared>>) dst(%dma_wait3A_54 : memref<128x128xf32, #tpu.memory_space<hbm>>)
        tpu.yield
      }) : () -> ()
    }
    %scan3A_27 = arith.constant 5 : i32
    return
  }
}

#map = affine_map<(d0, d1) -> (0, 0, 0)>
#map1 = affine_map<(d0, d1) -> (0)>
#map2 = affine_map<(d0, d1) -> (0, 0)>
module attributes {stable_mosaic.version = 14 : i64} {
  func.func @_sc_spmm(%arg0: i32, %arg1: i32, %arg2: memref<2x10000x128xf32, #tpu.memory_space<hbm>>, %arg3: memref<163840xi32, #tpu.memory_space<hbm>>, %arg4: memref<2560x64xi32, #tpu.memory_space<hbm>>, %arg5: memref<10240x128xf32, #tpu.memory_space<hbm>>, %arg6: memref<64x128xf32, #tpu.memory_space<hbm>>, %arg7: memref<2x10240x128xf32, #tpu.memory_space<hbm>>, %arg8: memref<10240xi32, #tpu.memory_space<vmem>>, %arg9: memref<160x64xi32, #tpu.memory_space<vmem>>, %arg10: memref<64x128xf32, #tpu.memory_space<vmem>>, %arg11: memref<64x128xf32, #tpu.memory_space<vmem>>, %arg12: memref<10240x128xf32, #tpu.memory_space<vmem_shared>>, %arg13: memref<!tpu.dma_semaphore, #tpu.memory_space<semaphore_mem>>, %arg14: memref<!tpu.dma_semaphore, #tpu.memory_space<semaphore_mem>>) attributes {dimension_semantics = [#tpu.dimension_semantics<core_parallel>, #tpu.dimension_semantics<subcore_parallel>], iteration_bounds = array<i64: 2, 16>, scalar_prefetch = 0 : i64, scratch_operands = 7 : i64, tpu.core_type = #tpu.core_type<sc_vector_subcore>, window_params = [{transform_indices = #map}, {transform_indices = #map1}, {transform_indices = #map2}, {transform_indices = #map2}, {transform_indices = #map2}, {transform_indices = #map}]} {
    %scan3A = arith.constant 0 : i32
    %scan3A_0 = arith.constant 5 : i32
    %scan3A_1 = arith.addi %scan3A, %scan3A_0 : i32
    %scan3A_2 = arith.constant 1 : i32
    scf.for %scan3A_28 = %scan3A to %scan3A_1 step %scan3A_2  : i32 {
      %mul3A_29 = arith.constant 1 : i32
      %mul3A_30 = arith.muli %scan3A_28, %mul3A_29 : i32
      %add3A = arith.constant 0 : i32
      %add3A_31 = arith.addi %add3A, %mul3A_30 : i32
      %mul3A_32 = arith.constant 640 : i32
      %mul3A_33 = arith.muli %arg1, %mul3A_32 : i32
      %mul3A_34 = arith.constant 128 : i32
      %mul3A_35 = arith.muli %add3A_31, %mul3A_34 : i32
      %add3A_36 = arith.addi %mul3A_33, %mul3A_35 : i32
      %mul3A_37 = arith.constant 640 : i32
      %mul3A_38 = arith.muli %arg1, %mul3A_37 : i32
      %mul3A_39 = arith.constant 128 : i32
      %mul3A_40 = arith.muli %add3A_31, %mul3A_39 : i32
      %add3A_41 = arith.addi %mul3A_38, %mul3A_40 : i32
      "tpu.region"() ({
        %run_scoped3A = tpu.sem_alloc : memref<!tpu.dma_semaphore, #tpu.memory_space<semaphore_mem>>
        %dma_start3A_42 = arith.constant 0 : i32
        %dma_start3A_43 = tpu.memref_slice %arg12[%add3A_41, %dma_start3A_42] : memref<10240x128xf32, #tpu.memory_space<vmem_shared>> -> memref<128x128xf32, #tpu.memory_space<vmem_shared>>
        %dma_start3A_44 = arith.constant 0 : i32
        %dma_start3A_45 = tpu.memref_slice %arg5[%add3A_36, %dma_start3A_44] : memref<10240x128xf32, #tpu.memory_space<hbm>> -> memref<128x128xf32, #tpu.memory_space<hbm>>
        tpu.enqueue_dma source(%dma_start3A_45 : memref<128x128xf32, #tpu.memory_space<hbm>>) target(%dma_start3A_43 : memref<128x128xf32, #tpu.memory_space<vmem_shared>>) target_semaphore(%run_scoped3A : memref<!tpu.dma_semaphore, #tpu.memory_space<semaphore_mem>>)
        %dma_wait3A = arith.constant 0 : i32
        %dma_wait3A_46 = tpu.memref_slice %arg12[%add3A_41, %dma_wait3A] : memref<10240x128xf32, #tpu.memory_space<vmem_shared>> -> memref<128x128xf32, #tpu.memory_space<vmem_shared>>
        %dma_wait3A_47 = arith.constant 0 : i32
        %dma_wait3A_48 = tpu.memref_slice %arg5[%add3A_36, %dma_wait3A_47] : memref<10240x128xf32, #tpu.memory_space<hbm>> -> memref<128x128xf32, #tpu.memory_space<hbm>>
        tpu.wait_dma2 semaphore(%run_scoped3A : memref<!tpu.dma_semaphore, #tpu.memory_space<semaphore_mem>>) src(%dma_wait3A_48 : memref<128x128xf32, #tpu.memory_space<hbm>>) dst(%dma_wait3A_46 : memref<128x128xf32, #tpu.memory_space<vmem_shared>>)
        tpu.yield
      }) : () -> ()
    }
    %scan3A_3 = arith.constant 5 : i32
    %mul3A = arith.constant 10240 : i32
    %mul3A_4 = arith.muli %arg1, %mul3A : i32
    "tpu.region"() ({
      %run_scoped3A = tpu.sem_alloc : memref<!tpu.dma_semaphore, #tpu.memory_space<semaphore_mem>>
      %dma_start3A_28 = tpu.memref_slice %arg3[%mul3A_4] : memref<163840xi32, #tpu.memory_space<hbm>> -> memref<10240xi32, #tpu.memory_space<hbm>>
      %dma_start3A_29 = tpu.memref_slice %arg3[%mul3A_4] : memref<163840xi32, #tpu.memory_space<hbm>> -> memref<10240xi32, #tpu.memory_space<hbm>>
      tpu.enqueue_dma source(%dma_start3A_29 : memref<10240xi32, #tpu.memory_space<hbm>>) target(%arg8 : memref<10240xi32, #tpu.memory_space<vmem>>) target_semaphore(%run_scoped3A : memref<!tpu.dma_semaphore, #tpu.memory_space<semaphore_mem>>)
      %dma_wait3A = tpu.memref_slice %arg3[%mul3A_4] : memref<163840xi32, #tpu.memory_space<hbm>> -> memref<10240xi32, #tpu.memory_space<hbm>>
      %dma_wait3A_30 = tpu.memref_slice %arg3[%mul3A_4] : memref<163840xi32, #tpu.memory_space<hbm>> -> memref<10240xi32, #tpu.memory_space<hbm>>
      tpu.wait_dma2 semaphore(%run_scoped3A : memref<!tpu.dma_semaphore, #tpu.memory_space<semaphore_mem>>) src(%dma_wait3A_30 : memref<10240xi32, #tpu.memory_space<hbm>>) dst(%arg8 : memref<10240xi32, #tpu.memory_space<vmem>>)
      tpu.yield
    }) : () -> ()
    %mul3A_5 = arith.constant 80 : i32
    %mul3A_6 = arith.muli %arg1, %mul3A_5 : i32
    %mul3A_7 = arith.constant 2 : i32
    %mul3A_8 = arith.muli %mul3A_6, %mul3A_7 : i32
    "tpu.region"() ({
      %run_scoped3A = tpu.sem_alloc : memref<!tpu.dma_semaphore, #tpu.memory_space<semaphore_mem>>
      %dma_start3A_28 = arith.constant 0 : i32
      %dma_start3A_29 = tpu.memref_slice %arg4[%mul3A_8, %dma_start3A_28] : memref<2560x64xi32, #tpu.memory_space<hbm>> -> memref<160x64xi32, #tpu.memory_space<hbm>>
      %dma_start3A_30 = arith.constant 0 : i32
      %dma_start3A_31 = tpu.memref_slice %arg4[%mul3A_8, %dma_start3A_30] : memref<2560x64xi32, #tpu.memory_space<hbm>> -> memref<160x64xi32, #tpu.memory_space<hbm>>
      tpu.enqueue_dma source(%dma_start3A_31 : memref<160x64xi32, #tpu.memory_space<hbm>>) target(%arg9 : memref<160x64xi32, #tpu.memory_space<vmem>>) target_semaphore(%run_scoped3A : memref<!tpu.dma_semaphore, #tpu.memory_space<semaphore_mem>>)
      %dma_wait3A = arith.constant 0 : i32
      %dma_wait3A_32 = tpu.memref_slice %arg4[%mul3A_8, %dma_wait3A] : memref<2560x64xi32, #tpu.memory_space<hbm>> -> memref<160x64xi32, #tpu.memory_space<hbm>>
      %dma_wait3A_33 = arith.constant 0 : i32
      %dma_wait3A_34 = tpu.memref_slice %arg4[%mul3A_8, %dma_wait3A_33] : memref<2560x64xi32, #tpu.memory_space<hbm>> -> memref<160x64xi32, #tpu.memory_space<hbm>>
      tpu.wait_dma2 semaphore(%run_scoped3A : memref<!tpu.dma_semaphore, #tpu.memory_space<semaphore_mem>>) src(%dma_wait3A_34 : memref<160x64xi32, #tpu.memory_space<hbm>>) dst(%arg9 : memref<160x64xi32, #tpu.memory_space<vmem>>)
      tpu.yield
    }) : () -> ()
    %barrier3A = arith.constant 0 : index
    tpu.barrier barrier_id(%barrier3A)
    %dma_start3A = arith.constant 0 : i32
    %dma_start3A_9 = tpu.memref_slice %arg8[%dma_start3A] : memref<10240xi32, #tpu.memory_space<vmem>> -> memref<64xi32, #tpu.memory_space<vmem>>
    %dma_start3A_10 = arith.constant 0 : i32
    %dma_start3A_11 = arith.constant 0 : i32
    %dma_start3A_12 = tpu.memref_slice %arg2[%arg0, %dma_start3A_10, %dma_start3A_11] : memref<2x10000x128xf32, #tpu.memory_space<hbm>> -> memref<1x10000x128xf32, #tpu.memory_space<hbm>>
    %dma_start3A_13 = tpu.memref_squeeze %dma_start3A_12 : memref<1x10000x128xf32, #tpu.memory_space<hbm>> -> memref<10000x128xf32, #tpu.memory_space<hbm>>
    %dma_start3A_14 = arith.constant 0 : i32
    %dma_start3A_15 = arith.constant 0 : i32
    %dma_start3A_16 = tpu.memref_slice %dma_start3A_13[%dma_start3A_14, %dma_start3A_15] : memref<10000x128xf32, #tpu.memory_space<hbm>> -> memref<10000x128xf32, #tpu.memory_space<hbm>>
    tpu.enqueue_indirect_dma source(%dma_start3A_16 : memref<10000x128xf32, #tpu.memory_space<hbm>>) target(%arg10 : memref<64x128xf32, #tpu.memory_space<vmem>>) offsets(%dma_start3A_9 : memref<64xi32, #tpu.memory_space<vmem>>) semaphore(%arg13 : memref<!tpu.dma_semaphore, #tpu.memory_space<semaphore_mem>>)
    %scan3A_17 = arith.constant 0 : i32
    %scan3A_18 = arith.constant 80 : i32
    %scan3A_19 = arith.addi %scan3A_17, %scan3A_18 : i32
    %scan3A_20 = arith.constant 1 : i32
    scf.for %scan3A_28 = %scan3A_17 to %scan3A_19 step %scan3A_20  : i32 {
      %mul3A_29 = arith.constant 1 : i32
      %mul3A_30 = arith.muli %scan3A_28, %mul3A_29 : i32
      %add3A = arith.constant 0 : i32
      %add3A_31 = arith.addi %add3A, %mul3A_30 : i32
      %mul3A_32 = arith.constant 2 : i32
      %mul3A_33 = arith.muli %add3A_31, %mul3A_32 : i32
      %add3A_34 = arith.constant 1 : i32
      %add3A_35 = arith.addi %mul3A_33, %add3A_34 : i32
      %mul3A_36 = arith.constant 64 : i32
      %mul3A_37 = arith.muli %add3A_35, %mul3A_36 : i32
      %dma_start3A_38 = tpu.memref_slice %arg8[%mul3A_37] : memref<10240xi32, #tpu.memory_space<vmem>> -> memref<64xi32, #tpu.memory_space<vmem>>
      %dma_start3A_39 = arith.constant 0 : i32
      %dma_start3A_40 = arith.constant 0 : i32
      %dma_start3A_41 = tpu.memref_slice %arg2[%arg0, %dma_start3A_39, %dma_start3A_40] : memref<2x10000x128xf32, #tpu.memory_space<hbm>> -> memref<1x10000x128xf32, #tpu.memory_space<hbm>>
      %dma_start3A_42 = tpu.memref_squeeze %dma_start3A_41 : memref<1x10000x128xf32, #tpu.memory_space<hbm>> -> memref<10000x128xf32, #tpu.memory_space<hbm>>
      %dma_start3A_43 = arith.constant 0 : i32
      %dma_start3A_44 = arith.constant 0 : i32
      %dma_start3A_45 = tpu.memref_slice %dma_start3A_42[%dma_start3A_43, %dma_start3A_44] : memref<10000x128xf32, #tpu.memory_space<hbm>> -> memref<10000x128xf32, #tpu.memory_space<hbm>>
      tpu.enqueue_indirect_dma source(%dma_start3A_45 : memref<10000x128xf32, #tpu.memory_space<hbm>>) target(%arg11 : memref<64x128xf32, #tpu.memory_space<vmem>>) offsets(%dma_start3A_38 : memref<64xi32, #tpu.memory_space<vmem>>) semaphore(%arg14 : memref<!tpu.dma_semaphore, #tpu.memory_space<semaphore_mem>>)
      tpu.wait_dma2 semaphore(%arg13 : memref<!tpu.dma_semaphore, #tpu.memory_space<semaphore_mem>>) src(%arg6 : memref<64x128xf32, #tpu.memory_space<hbm>>) dst(%arg10 : memref<64x128xf32, #tpu.memory_space<vmem>>)
      "tpu.region"() ({
        %run_scoped3A = tpu.sem_alloc : memref<!tpu.dma_semaphore, #tpu.memory_space<semaphore_mem>>
        %dma_start3A_50 = arith.constant 0 : i32
        %dma_start3A_51 = tpu.memref_slice %arg9[%mul3A_33, %dma_start3A_50] : memref<160x64xi32, #tpu.memory_space<vmem>> -> memref<1x64xi32, #tpu.memory_space<vmem>>
        %dma_start3A_52 = tpu.memref_squeeze %dma_start3A_51 : memref<1x64xi32, #tpu.memory_space<vmem>> -> memref<64xi32, #tpu.memory_space<vmem>>
        %dma_start3A_53 = arith.constant 0 : i32
        %dma_start3A_54 = arith.constant 0 : i32
        %dma_start3A_55 = tpu.memref_slice %arg12[%dma_start3A_53, %dma_start3A_54] : memref<10240x128xf32, #tpu.memory_space<vmem_shared>> -> memref<10240x128xf32, #tpu.memory_space<vmem_shared>>
        tpu.enqueue_indirect_dma source(%arg10 : memref<64x128xf32, #tpu.memory_space<vmem>>) target(%dma_start3A_55 : memref<10240x128xf32, #tpu.memory_space<vmem_shared>>) offsets(%dma_start3A_52 : memref<64xi32, #tpu.memory_space<vmem>>) semaphore(%run_scoped3A : memref<!tpu.dma_semaphore, #tpu.memory_space<semaphore_mem>>) {add = true}
        %dma_wait3A = arith.constant 0 : i32
        %dma_wait3A_56 = tpu.memref_slice %arg9[%mul3A_33, %dma_wait3A] : memref<160x64xi32, #tpu.memory_space<vmem>> -> memref<1x64xi32, #tpu.memory_space<vmem>>
        %dma_wait3A_57 = tpu.memref_squeeze %dma_wait3A_56 : memref<1x64xi32, #tpu.memory_space<vmem>> -> memref<64xi32, #tpu.memory_space<vmem>>
        %dma_wait3A_58 = arith.constant 0 : i32
        %dma_wait3A_59 = arith.constant 0 : i32
        %dma_wait3A_60 = tpu.memref_slice %arg12[%dma_wait3A_58, %dma_wait3A_59] : memref<10240x128xf32, #tpu.memory_space<vmem_shared>> -> memref<10240x128xf32, #tpu.memory_space<vmem_shared>>
        tpu.wait_indirect_dma semaphore(%run_scoped3A : memref<!tpu.dma_semaphore, #tpu.memory_space<semaphore_mem>>) src(%arg10 : memref<64x128xf32, #tpu.memory_space<vmem>>) dst(%dma_wait3A_60 : memref<10240x128xf32, #tpu.memory_space<vmem_shared>>)
        tpu.yield
      }) : () -> ()
      %lt3A = arith.constant 79 : i32
      %lt3A_46 = arith.cmpi slt, %add3A_31, %lt3A : i32
      %convert_element_type3A = arith.extui %lt3A_46 : i1 to i32
      %cond3A = arith.constant 0 : i32
      %cond3A_47 = arith.cmpi ne, %convert_element_type3A, %cond3A : i32
      scf.if %cond3A_47 {
        %add3A_50 = arith.constant 2 : i32
        %add3A_51 = arith.addi %mul3A_33, %add3A_50 : i32
        %mul3A_52 = arith.constant 64 : i32
        %mul3A_53 = arith.muli %add3A_51, %mul3A_52 : i32
        %dma_start3A_54 = tpu.memref_slice %arg8[%mul3A_53] : memref<10240xi32, #tpu.memory_space<vmem>> -> memref<64xi32, #tpu.memory_space<vmem>>
        %dma_start3A_55 = arith.constant 0 : i32
        %dma_start3A_56 = arith.constant 0 : i32
        %dma_start3A_57 = tpu.memref_slice %arg2[%arg0, %dma_start3A_55, %dma_start3A_56] : memref<2x10000x128xf32, #tpu.memory_space<hbm>> -> memref<1x10000x128xf32, #tpu.memory_space<hbm>>
        %dma_start3A_58 = tpu.memref_squeeze %dma_start3A_57 : memref<1x10000x128xf32, #tpu.memory_space<hbm>> -> memref<10000x128xf32, #tpu.memory_space<hbm>>
        %dma_start3A_59 = arith.constant 0 : i32
        %dma_start3A_60 = arith.constant 0 : i32
        %dma_start3A_61 = tpu.memref_slice %dma_start3A_58[%dma_start3A_59, %dma_start3A_60] : memref<10000x128xf32, #tpu.memory_space<hbm>> -> memref<10000x128xf32, #tpu.memory_space<hbm>>
        tpu.enqueue_indirect_dma source(%dma_start3A_61 : memref<10000x128xf32, #tpu.memory_space<hbm>>) target(%arg10 : memref<64x128xf32, #tpu.memory_space<vmem>>) offsets(%dma_start3A_54 : memref<64xi32, #tpu.memory_space<vmem>>) semaphore(%arg13 : memref<!tpu.dma_semaphore, #tpu.memory_space<semaphore_mem>>)
      } else {
      }
      tpu.wait_dma2 semaphore(%arg14 : memref<!tpu.dma_semaphore, #tpu.memory_space<semaphore_mem>>) src(%arg6 : memref<64x128xf32, #tpu.memory_space<hbm>>) dst(%arg11 : memref<64x128xf32, #tpu.memory_space<vmem>>)
      %add3A_48 = arith.constant 1 : i32
      %add3A_49 = arith.addi %mul3A_33, %add3A_48 : i32
      "tpu.region"() ({
        %run_scoped3A = tpu.sem_alloc : memref<!tpu.dma_semaphore, #tpu.memory_space<semaphore_mem>>
        %dma_start3A_50 = arith.constant 0 : i32
        %dma_start3A_51 = tpu.memref_slice %arg9[%add3A_49, %dma_start3A_50] : memref<160x64xi32, #tpu.memory_space<vmem>> -> memref<1x64xi32, #tpu.memory_space<vmem>>
        %dma_start3A_52 = tpu.memref_squeeze %dma_start3A_51 : memref<1x64xi32, #tpu.memory_space<vmem>> -> memref<64xi32, #tpu.memory_space<vmem>>
        %dma_start3A_53 = arith.constant 0 : i32
        %dma_start3A_54 = arith.constant 0 : i32
        %dma_start3A_55 = tpu.memref_slice %arg12[%dma_start3A_53, %dma_start3A_54] : memref<10240x128xf32, #tpu.memory_space<vmem_shared>> -> memref<10240x128xf32, #tpu.memory_space<vmem_shared>>
        tpu.enqueue_indirect_dma source(%arg11 : memref<64x128xf32, #tpu.memory_space<vmem>>) target(%dma_start3A_55 : memref<10240x128xf32, #tpu.memory_space<vmem_shared>>) offsets(%dma_start3A_52 : memref<64xi32, #tpu.memory_space<vmem>>) semaphore(%run_scoped3A : memref<!tpu.dma_semaphore, #tpu.memory_space<semaphore_mem>>) {add = true}
        %dma_wait3A = arith.constant 0 : i32
        %dma_wait3A_56 = tpu.memref_slice %arg9[%add3A_49, %dma_wait3A] : memref<160x64xi32, #tpu.memory_space<vmem>> -> memref<1x64xi32, #tpu.memory_space<vmem>>
        %dma_wait3A_57 = tpu.memref_squeeze %dma_wait3A_56 : memref<1x64xi32, #tpu.memory_space<vmem>> -> memref<64xi32, #tpu.memory_space<vmem>>
        %dma_wait3A_58 = arith.constant 0 : i32
        %dma_wait3A_59 = arith.constant 0 : i32
        %dma_wait3A_60 = tpu.memref_slice %arg12[%dma_wait3A_58, %dma_wait3A_59] : memref<10240x128xf32, #tpu.memory_space<vmem_shared>> -> memref<10240x128xf32, #tpu.memory_space<vmem_shared>>
        tpu.wait_indirect_dma semaphore(%run_scoped3A : memref<!tpu.dma_semaphore, #tpu.memory_space<semaphore_mem>>) src(%arg11 : memref<64x128xf32, #tpu.memory_space<vmem>>) dst(%dma_wait3A_60 : memref<10240x128xf32, #tpu.memory_space<vmem_shared>>)
        tpu.yield
      }) : () -> ()
    }
    %scan3A_21 = arith.constant 80 : i32
    %barrier3A_22 = arith.constant 0 : index
    tpu.barrier barrier_id(%barrier3A_22)
    %scan3A_23 = arith.constant 0 : i32
    %scan3A_24 = arith.constant 5 : i32
    %scan3A_25 = arith.addi %scan3A_23, %scan3A_24 : i32
    %scan3A_26 = arith.constant 1 : i32
    scf.for %scan3A_28 = %scan3A_23 to %scan3A_25 step %scan3A_26  : i32 {
      %mul3A_29 = arith.constant 1 : i32
      %mul3A_30 = arith.muli %scan3A_28, %mul3A_29 : i32
      %add3A = arith.constant 0 : i32
      %add3A_31 = arith.addi %add3A, %mul3A_30 : i32
      %mul3A_32 = arith.constant 640 : i32
      %mul3A_33 = arith.muli %arg1, %mul3A_32 : i32
      %mul3A_34 = arith.constant 128 : i32
      %mul3A_35 = arith.muli %add3A_31, %mul3A_34 : i32
      %add3A_36 = arith.addi %mul3A_33, %mul3A_35 : i32
      %mul3A_37 = arith.constant 640 : i32
      %mul3A_38 = arith.muli %arg1, %mul3A_37 : i32
      %mul3A_39 = arith.constant 128 : i32
      %mul3A_40 = arith.muli %add3A_31, %mul3A_39 : i32
      %add3A_41 = arith.addi %mul3A_38, %mul3A_40 : i32
      "tpu.region"() ({
        %run_scoped3A = tpu.sem_alloc : memref<!tpu.dma_semaphore, #tpu.memory_space<semaphore_mem>>
        %dma_start3A_42 = arith.constant 0 : i32
        %dma_start3A_43 = arith.constant 0 : i32
        %dma_start3A_44 = tpu.memref_slice %arg7[%arg0, %dma_start3A_42, %dma_start3A_43] : memref<2x10240x128xf32, #tpu.memory_space<hbm>> -> memref<1x10240x128xf32, #tpu.memory_space<hbm>>
        %dma_start3A_45 = tpu.memref_squeeze %dma_start3A_44 : memref<1x10240x128xf32, #tpu.memory_space<hbm>> -> memref<10240x128xf32, #tpu.memory_space<hbm>>
        %dma_start3A_46 = arith.constant 0 : i32
        %dma_start3A_47 = tpu.memref_slice %dma_start3A_45[%add3A_41, %dma_start3A_46] : memref<10240x128xf32, #tpu.memory_space<hbm>> -> memref<128x128xf32, #tpu.memory_space<hbm>>
        %dma_start3A_48 = arith.constant 0 : i32
        %dma_start3A_49 = tpu.memref_slice %arg12[%add3A_36, %dma_start3A_48] : memref<10240x128xf32, #tpu.memory_space<vmem_shared>> -> memref<128x128xf32, #tpu.memory_space<vmem_shared>>
        tpu.enqueue_dma source(%dma_start3A_49 : memref<128x128xf32, #tpu.memory_space<vmem_shared>>) target(%dma_start3A_47 : memref<128x128xf32, #tpu.memory_space<hbm>>) target_semaphore(%run_scoped3A : memref<!tpu.dma_semaphore, #tpu.memory_space<semaphore_mem>>)
        %dma_wait3A = arith.constant 0 : i32
        %dma_wait3A_50 = arith.constant 0 : i32
        %dma_wait3A_51 = tpu.memref_slice %arg7[%arg0, %dma_wait3A, %dma_wait3A_50] : memref<2x10240x128xf32, #tpu.memory_space<hbm>> -> memref<1x10240x128xf32, #tpu.memory_space<hbm>>
        %dma_wait3A_52 = tpu.memref_squeeze %dma_wait3A_51 : memref<1x10240x128xf32, #tpu.memory_space<hbm>> -> memref<10240x128xf32, #tpu.memory_space<hbm>>
        %dma_wait3A_53 = arith.constant 0 : i32
        %dma_wait3A_54 = tpu.memref_slice %dma_wait3A_52[%add3A_41, %dma_wait3A_53] : memref<10240x128xf32, #tpu.memory_space<hbm>> -> memref<128x128xf32, #tpu.memory_space<hbm>>
        %dma_wait3A_55 = arith.constant 0 : i32
        %dma_wait3A_56 = tpu.memref_slice %arg12[%add3A_36, %dma_wait3A_55] : memref<10240x128xf32, #tpu.memory_space<vmem_shared>> -> memref<128x128xf32, #tpu.memory_space<vmem_shared>>
        tpu.wait_dma2 semaphore(%run_scoped3A : memref<!tpu.dma_semaphore, #tpu.memory_space<semaphore_mem>>) src(%dma_wait3A_56 : memref<128x128xf32, #tpu.memory_space<vmem_shared>>) dst(%dma_wait3A_54 : memref<128x128xf32, #tpu.memory_space<hbm>>)
        tpu.yield
      }) : () -> ()
    }
    %scan3A_27 = arith.constant 5 : i32
    return
  }
}

#map = affine_map<(d0, d1) -> (0, 0, 0)>
#map1 = affine_map<(d0, d1) -> (0)>
#map2 = affine_map<(d0, d1) -> (0, 0)>
module attributes {stable_mosaic.version = 14 : i64} {
  func.func @_sc_spmm(%arg0: i32, %arg1: i32, %arg2: memref<2x10000x128xf32, #tpu.memory_space<hbm>>, %arg3: memref<163840xi32, #tpu.memory_space<hbm>>, %arg4: memref<2560x64xi32, #tpu.memory_space<hbm>>, %arg5: memref<10240x128xf32, #tpu.memory_space<hbm>>, %arg6: memref<64x128xf32, #tpu.memory_space<hbm>>, %arg7: memref<2x10240x128xf32, #tpu.memory_space<hbm>>, %arg8: memref<10240xi32, #tpu.memory_space<vmem>>, %arg9: memref<160x64xi32, #tpu.memory_space<vmem>>, %arg10: memref<64x128xf32, #tpu.memory_space<vmem>>, %arg11: memref<64x128xf32, #tpu.memory_space<vmem>>, %arg12: memref<10240x128xf32, #tpu.memory_space<vmem_shared>>, %arg13: memref<!tpu.dma_semaphore, #tpu.memory_space<semaphore_mem>>, %arg14: memref<!tpu.dma_semaphore, #tpu.memory_space<semaphore_mem>>) attributes {dimension_semantics = [#tpu.dimension_semantics<core_parallel>, #tpu.dimension_semantics<subcore_parallel>], iteration_bounds = array<i64: 2, 16>, scalar_prefetch = 0 : i64, scratch_operands = 7 : i64, tpu.core_type = #tpu.core_type<sc_vector_subcore>, window_params = [{transform_indices = #map}, {transform_indices = #map1}, {transform_indices = #map2}, {transform_indices = #map2}, {transform_indices = #map2}, {transform_indices = #map}]} {
    %scan3A = arith.constant 0 : i32
    %scan3A_0 = arith.constant 5 : i32
    %scan3A_1 = arith.addi %scan3A, %scan3A_0 : i32
    %scan3A_2 = arith.constant 1 : i32
    scf.for %scan3A_28 = %scan3A to %scan3A_1 step %scan3A_2  : i32 {
      %mul3A_29 = arith.constant 1 : i32
      %mul3A_30 = arith.muli %scan3A_28, %mul3A_29 : i32
      %add3A = arith.constant 0 : i32
      %add3A_31 = arith.addi %add3A, %mul3A_30 : i32
      %mul3A_32 = arith.constant 640 : i32
      %mul3A_33 = arith.muli %arg1, %mul3A_32 : i32
      %mul3A_34 = arith.constant 128 : i32
      %mul3A_35 = arith.muli %add3A_31, %mul3A_34 : i32
      %add3A_36 = arith.addi %mul3A_33, %mul3A_35 : i32
      %mul3A_37 = arith.constant 640 : i32
      %mul3A_38 = arith.muli %arg1, %mul3A_37 : i32
      %mul3A_39 = arith.constant 128 : i32
      %mul3A_40 = arith.muli %add3A_31, %mul3A_39 : i32
      %add3A_41 = arith.addi %mul3A_38, %mul3A_40 : i32
      "tpu.region"() ({
        %run_scoped3A = tpu.sem_alloc : memref<!tpu.dma_semaphore, #tpu.memory_space<semaphore_mem>>
        %dma_start3A_42 = arith.constant 0 : i32
        %dma_start3A_43 = tpu.memref_slice %arg12[%add3A_41, %dma_start3A_42] : memref<10240x128xf32, #tpu.memory_space<vmem_shared>> -> memref<128x128xf32, #tpu.memory_space<vmem_shared>>
        %dma_start3A_44 = arith.constant 0 : i32
        %dma_start3A_45 = tpu.memref_slice %arg5[%add3A_36, %dma_start3A_44] : memref<10240x128xf32, #tpu.memory_space<hbm>> -> memref<128x128xf32, #tpu.memory_space<hbm>>
        tpu.enqueue_dma source(%dma_start3A_45 : memref<128x128xf32, #tpu.memory_space<hbm>>) target(%dma_start3A_43 : memref<128x128xf32, #tpu.memory_space<vmem_shared>>) target_semaphore(%run_scoped3A : memref<!tpu.dma_semaphore, #tpu.memory_space<semaphore_mem>>)
        %dma_wait3A = arith.constant 0 : i32
        %dma_wait3A_46 = tpu.memref_slice %arg12[%add3A_41, %dma_wait3A] : memref<10240x128xf32, #tpu.memory_space<vmem_shared>> -> memref<128x128xf32, #tpu.memory_space<vmem_shared>>
        %dma_wait3A_47 = arith.constant 0 : i32
        %dma_wait3A_48 = tpu.memref_slice %arg5[%add3A_36, %dma_wait3A_47] : memref<10240x128xf32, #tpu.memory_space<hbm>> -> memref<128x128xf32, #tpu.memory_space<hbm>>
        tpu.wait_dma2 semaphore(%run_scoped3A : memref<!tpu.dma_semaphore, #tpu.memory_space<semaphore_mem>>) src(%dma_wait3A_48 : memref<128x128xf32, #tpu.memory_space<hbm>>) dst(%dma_wait3A_46 : memref<128x128xf32, #tpu.memory_space<vmem_shared>>)
        tpu.yield
      }) : () -> ()
    }
    %scan3A_3 = arith.constant 5 : i32
    %mul3A = arith.constant 10240 : i32
    %mul3A_4 = arith.muli %arg1, %mul3A : i32
    "tpu.region"() ({
      %run_scoped3A = tpu.sem_alloc : memref<!tpu.dma_semaphore, #tpu.memory_space<semaphore_mem>>
      %dma_start3A_28 = tpu.memref_slice %arg3[%mul3A_4] : memref<163840xi32, #tpu.memory_space<hbm>> -> memref<10240xi32, #tpu.memory_space<hbm>>
      %dma_start3A_29 = tpu.memref_slice %arg3[%mul3A_4] : memref<163840xi32, #tpu.memory_space<hbm>> -> memref<10240xi32, #tpu.memory_space<hbm>>
      tpu.enqueue_dma source(%dma_start3A_29 : memref<10240xi32, #tpu.memory_space<hbm>>) target(%arg8 : memref<10240xi32, #tpu.memory_space<vmem>>) target_semaphore(%run_scoped3A : memref<!tpu.dma_semaphore, #tpu.memory_space<semaphore_mem>>)
      %dma_wait3A = tpu.memref_slice %arg3[%mul3A_4] : memref<163840xi32, #tpu.memory_space<hbm>> -> memref<10240xi32, #tpu.memory_space<hbm>>
      %dma_wait3A_30 = tpu.memref_slice %arg3[%mul3A_4] : memref<163840xi32, #tpu.memory_space<hbm>> -> memref<10240xi32, #tpu.memory_space<hbm>>
      tpu.wait_dma2 semaphore(%run_scoped3A : memref<!tpu.dma_semaphore, #tpu.memory_space<semaphore_mem>>) src(%dma_wait3A_30 : memref<10240xi32, #tpu.memory_space<hbm>>) dst(%arg8 : memref<10240xi32, #tpu.memory_space<vmem>>)
      tpu.yield
    }) : () -> ()
    %mul3A_5 = arith.constant 80 : i32
    %mul3A_6 = arith.muli %arg1, %mul3A_5 : i32
    %mul3A_7 = arith.constant 2 : i32
    %mul3A_8 = arith.muli %mul3A_6, %mul3A_7 : i32
    "tpu.region"() ({
      %run_scoped3A = tpu.sem_alloc : memref<!tpu.dma_semaphore, #tpu.memory_space<semaphore_mem>>
      %dma_start3A_28 = arith.constant 0 : i32
      %dma_start3A_29 = tpu.memref_slice %arg4[%mul3A_8, %dma_start3A_28] : memref<2560x64xi32, #tpu.memory_space<hbm>> -> memref<160x64xi32, #tpu.memory_space<hbm>>
      %dma_start3A_30 = arith.constant 0 : i32
      %dma_start3A_31 = tpu.memref_slice %arg4[%mul3A_8, %dma_start3A_30] : memref<2560x64xi32, #tpu.memory_space<hbm>> -> memref<160x64xi32, #tpu.memory_space<hbm>>
      tpu.enqueue_dma source(%dma_start3A_31 : memref<160x64xi32, #tpu.memory_space<hbm>>) target(%arg9 : memref<160x64xi32, #tpu.memory_space<vmem>>) target_semaphore(%run_scoped3A : memref<!tpu.dma_semaphore, #tpu.memory_space<semaphore_mem>>)
      %dma_wait3A = arith.constant 0 : i32
      %dma_wait3A_32 = tpu.memref_slice %arg4[%mul3A_8, %dma_wait3A] : memref<2560x64xi32, #tpu.memory_space<hbm>> -> memref<160x64xi32, #tpu.memory_space<hbm>>
      %dma_wait3A_33 = arith.constant 0 : i32
      %dma_wait3A_34 = tpu.memref_slice %arg4[%mul3A_8, %dma_wait3A_33] : memref<2560x64xi32, #tpu.memory_space<hbm>> -> memref<160x64xi32, #tpu.memory_space<hbm>>
      tpu.wait_dma2 semaphore(%run_scoped3A : memref<!tpu.dma_semaphore, #tpu.memory_space<semaphore_mem>>) src(%dma_wait3A_34 : memref<160x64xi32, #tpu.memory_space<hbm>>) dst(%arg9 : memref<160x64xi32, #tpu.memory_space<vmem>>)
      tpu.yield
    }) : () -> ()
    %barrier3A = arith.constant 0 : index
    tpu.barrier barrier_id(%barrier3A)
    %dma_start3A = arith.constant 0 : i32
    %dma_start3A_9 = tpu.memref_slice %arg8[%dma_start3A] : memref<10240xi32, #tpu.memory_space<vmem>> -> memref<64xi32, #tpu.memory_space<vmem>>
    %dma_start3A_10 = arith.constant 0 : i32
    %dma_start3A_11 = arith.constant 0 : i32
    %dma_start3A_12 = tpu.memref_slice %arg2[%arg0, %dma_start3A_10, %dma_start3A_11] : memref<2x10000x128xf32, #tpu.memory_space<hbm>> -> memref<1x10000x128xf32, #tpu.memory_space<hbm>>
    %dma_start3A_13 = tpu.memref_squeeze %dma_start3A_12 : memref<1x10000x128xf32, #tpu.memory_space<hbm>> -> memref<10000x128xf32, #tpu.memory_space<hbm>>
    %dma_start3A_14 = arith.constant 0 : i32
    %dma_start3A_15 = arith.constant 0 : i32
    %dma_start3A_16 = tpu.memref_slice %dma_start3A_13[%dma_start3A_14, %dma_start3A_15] : memref<10000x128xf32, #tpu.memory_space<hbm>> -> memref<10000x128xf32, #tpu.memory_space<hbm>>
    tpu.enqueue_indirect_dma source(%dma_start3A_16 : memref<10000x128xf32, #tpu.memory_space<hbm>>) target(%arg10 : memref<64x128xf32, #tpu.memory_space<vmem>>) offsets(%dma_start3A_9 : memref<64xi32, #tpu.memory_space<vmem>>) semaphore(%arg13 : memref<!tpu.dma_semaphore, #tpu.memory_space<semaphore_mem>>)
    %scan3A_17 = arith.constant 0 : i32
    %scan3A_18 = arith.constant 80 : i32
    %scan3A_19 = arith.addi %scan3A_17, %scan3A_18 : i32
    %scan3A_20 = arith.constant 1 : i32
    scf.for %scan3A_28 = %scan3A_17 to %scan3A_19 step %scan3A_20  : i32 {
      %mul3A_29 = arith.constant 1 : i32
      %mul3A_30 = arith.muli %scan3A_28, %mul3A_29 : i32
      %add3A = arith.constant 0 : i32
      %add3A_31 = arith.addi %add3A, %mul3A_30 : i32
      %mul3A_32 = arith.constant 2 : i32
      %mul3A_33 = arith.muli %add3A_31, %mul3A_32 : i32
      %add3A_34 = arith.constant 1 : i32
      %add3A_35 = arith.addi %mul3A_33, %add3A_34 : i32
      %mul3A_36 = arith.constant 64 : i32
      %mul3A_37 = arith.muli %add3A_35, %mul3A_36 : i32
      %dma_start3A_38 = tpu.memref_slice %arg8[%mul3A_37] : memref<10240xi32, #tpu.memory_space<vmem>> -> memref<64xi32, #tpu.memory_space<vmem>>
      %dma_start3A_39 = arith.constant 0 : i32
      %dma_start3A_40 = arith.constant 0 : i32
      %dma_start3A_41 = tpu.memref_slice %arg2[%arg0, %dma_start3A_39, %dma_start3A_40] : memref<2x10000x128xf32, #tpu.memory_space<hbm>> -> memref<1x10000x128xf32, #tpu.memory_space<hbm>>
      %dma_start3A_42 = tpu.memref_squeeze %dma_start3A_41 : memref<1x10000x128xf32, #tpu.memory_space<hbm>> -> memref<10000x128xf32, #tpu.memory_space<hbm>>
      %dma_start3A_43 = arith.constant 0 : i32
      %dma_start3A_44 = arith.constant 0 : i32
      %dma_start3A_45 = tpu.memref_slice %dma_start3A_42[%dma_start3A_43, %dma_start3A_44] : memref<10000x128xf32, #tpu.memory_space<hbm>> -> memref<10000x128xf32, #tpu.memory_space<hbm>>
      tpu.enqueue_indirect_dma source(%dma_start3A_45 : memref<10000x128xf32, #tpu.memory_space<hbm>>) target(%arg11 : memref<64x128xf32, #tpu.memory_space<vmem>>) offsets(%dma_start3A_38 : memref<64xi32, #tpu.memory_space<vmem>>) semaphore(%arg14 : memref<!tpu.dma_semaphore, #tpu.memory_space<semaphore_mem>>)
      tpu.wait_dma2 semaphore(%arg13 : memref<!tpu.dma_semaphore, #tpu.memory_space<semaphore_mem>>) src(%arg6 : memref<64x128xf32, #tpu.memory_space<hbm>>) dst(%arg10 : memref<64x128xf32, #tpu.memory_space<vmem>>)
      "tpu.region"() ({
        %run_scoped3A = tpu.sem_alloc : memref<!tpu.dma_semaphore, #tpu.memory_space<semaphore_mem>>
        %dma_start3A_50 = arith.constant 0 : i32
        %dma_start3A_51 = tpu.memref_slice %arg9[%mul3A_33, %dma_start3A_50] : memref<160x64xi32, #tpu.memory_space<vmem>> -> memref<1x64xi32, #tpu.memory_space<vmem>>
        %dma_start3A_52 = tpu.memref_squeeze %dma_start3A_51 : memref<1x64xi32, #tpu.memory_space<vmem>> -> memref<64xi32, #tpu.memory_space<vmem>>
        %dma_start3A_53 = arith.constant 0 : i32
        %dma_start3A_54 = arith.constant 0 : i32
        %dma_start3A_55 = tpu.memref_slice %arg12[%dma_start3A_53, %dma_start3A_54] : memref<10240x128xf32, #tpu.memory_space<vmem_shared>> -> memref<10240x128xf32, #tpu.memory_space<vmem_shared>>
        tpu.enqueue_indirect_dma source(%arg10 : memref<64x128xf32, #tpu.memory_space<vmem>>) target(%dma_start3A_55 : memref<10240x128xf32, #tpu.memory_space<vmem_shared>>) offsets(%dma_start3A_52 : memref<64xi32, #tpu.memory_space<vmem>>) semaphore(%run_scoped3A : memref<!tpu.dma_semaphore, #tpu.memory_space<semaphore_mem>>) {add = true}
        %dma_wait3A = arith.constant 0 : i32
        %dma_wait3A_56 = tpu.memref_slice %arg9[%mul3A_33, %dma_wait3A] : memref<160x64xi32, #tpu.memory_space<vmem>> -> memref<1x64xi32, #tpu.memory_space<vmem>>
        %dma_wait3A_57 = tpu.memref_squeeze %dma_wait3A_56 : memref<1x64xi32, #tpu.memory_space<vmem>> -> memref<64xi32, #tpu.memory_space<vmem>>
        %dma_wait3A_58 = arith.constant 0 : i32
        %dma_wait3A_59 = arith.constant 0 : i32
        %dma_wait3A_60 = tpu.memref_slice %arg12[%dma_wait3A_58, %dma_wait3A_59] : memref<10240x128xf32, #tpu.memory_space<vmem_shared>> -> memref<10240x128xf32, #tpu.memory_space<vmem_shared>>
        tpu.wait_indirect_dma semaphore(%run_scoped3A : memref<!tpu.dma_semaphore, #tpu.memory_space<semaphore_mem>>) src(%arg10 : memref<64x128xf32, #tpu.memory_space<vmem>>) dst(%dma_wait3A_60 : memref<10240x128xf32, #tpu.memory_space<vmem_shared>>)
        tpu.yield
      }) : () -> ()
      %lt3A = arith.constant 79 : i32
      %lt3A_46 = arith.cmpi slt, %add3A_31, %lt3A : i32
      %convert_element_type3A = arith.extui %lt3A_46 : i1 to i32
      %cond3A = arith.constant 0 : i32
      %cond3A_47 = arith.cmpi ne, %convert_element_type3A, %cond3A : i32
      scf.if %cond3A_47 {
        %add3A_50 = arith.constant 2 : i32
        %add3A_51 = arith.addi %mul3A_33, %add3A_50 : i32
        %mul3A_52 = arith.constant 64 : i32
        %mul3A_53 = arith.muli %add3A_51, %mul3A_52 : i32
        %dma_start3A_54 = tpu.memref_slice %arg8[%mul3A_53] : memref<10240xi32, #tpu.memory_space<vmem>> -> memref<64xi32, #tpu.memory_space<vmem>>
        %dma_start3A_55 = arith.constant 0 : i32
        %dma_start3A_56 = arith.constant 0 : i32
        %dma_start3A_57 = tpu.memref_slice %arg2[%arg0, %dma_start3A_55, %dma_start3A_56] : memref<2x10000x128xf32, #tpu.memory_space<hbm>> -> memref<1x10000x128xf32, #tpu.memory_space<hbm>>
        %dma_start3A_58 = tpu.memref_squeeze %dma_start3A_57 : memref<1x10000x128xf32, #tpu.memory_space<hbm>> -> memref<10000x128xf32, #tpu.memory_space<hbm>>
        %dma_start3A_59 = arith.constant 0 : i32
        %dma_start3A_60 = arith.constant 0 : i32
        %dma_start3A_61 = tpu.memref_slice %dma_start3A_58[%dma_start3A_59, %dma_start3A_60] : memref<10000x128xf32, #tpu.memory_space<hbm>> -> memref<10000x128xf32, #tpu.memory_space<hbm>>
        tpu.enqueue_indirect_dma source(%dma_start3A_61 : memref<10000x128xf32, #tpu.memory_space<hbm>>) target(%arg10 : memref<64x128xf32, #tpu.memory_space<vmem>>) offsets(%dma_start3A_54 : memref<64xi32, #tpu.memory_space<vmem>>) semaphore(%arg13 : memref<!tpu.dma_semaphore, #tpu.memory_space<semaphore_mem>>)
      } else {
      }
      tpu.wait_dma2 semaphore(%arg14 : memref<!tpu.dma_semaphore, #tpu.memory_space<semaphore_mem>>) src(%arg6 : memref<64x128xf32, #tpu.memory_space<hbm>>) dst(%arg11 : memref<64x128xf32, #tpu.memory_space<vmem>>)
      %add3A_48 = arith.constant 1 : i32
      %add3A_49 = arith.addi %mul3A_33, %add3A_48 : i32
      "tpu.region"() ({
        %run_scoped3A = tpu.sem_alloc : memref<!tpu.dma_semaphore, #tpu.memory_space<semaphore_mem>>
        %dma_start3A_50 = arith.constant 0 : i32
        %dma_start3A_51 = tpu.memref_slice %arg9[%add3A_49, %dma_start3A_50] : memref<160x64xi32, #tpu.memory_space<vmem>> -> memref<1x64xi32, #tpu.memory_space<vmem>>
        %dma_start3A_52 = tpu.memref_squeeze %dma_start3A_51 : memref<1x64xi32, #tpu.memory_space<vmem>> -> memref<64xi32, #tpu.memory_space<vmem>>
        %dma_start3A_53 = arith.constant 0 : i32
        %dma_start3A_54 = arith.constant 0 : i32
        %dma_start3A_55 = tpu.memref_slice %arg12[%dma_start3A_53, %dma_start3A_54] : memref<10240x128xf32, #tpu.memory_space<vmem_shared>> -> memref<10240x128xf32, #tpu.memory_space<vmem_shared>>
        tpu.enqueue_indirect_dma source(%arg11 : memref<64x128xf32, #tpu.memory_space<vmem>>) target(%dma_start3A_55 : memref<10240x128xf32, #tpu.memory_space<vmem_shared>>) offsets(%dma_start3A_52 : memref<64xi32, #tpu.memory_space<vmem>>) semaphore(%run_scoped3A : memref<!tpu.dma_semaphore, #tpu.memory_space<semaphore_mem>>) {add = true}
        %dma_wait3A = arith.constant 0 : i32
        %dma_wait3A_56 = tpu.memref_slice %arg9[%add3A_49, %dma_wait3A] : memref<160x64xi32, #tpu.memory_space<vmem>> -> memref<1x64xi32, #tpu.memory_space<vmem>>
        %dma_wait3A_57 = tpu.memref_squeeze %dma_wait3A_56 : memref<1x64xi32, #tpu.memory_space<vmem>> -> memref<64xi32, #tpu.memory_space<vmem>>
        %dma_wait3A_58 = arith.constant 0 : i32
        %dma_wait3A_59 = arith.constant 0 : i32
        %dma_wait3A_60 = tpu.memref_slice %arg12[%dma_wait3A_58, %dma_wait3A_59] : memref<10240x128xf32, #tpu.memory_space<vmem_shared>> -> memref<10240x128xf32, #tpu.memory_space<vmem_shared>>
        tpu.wait_indirect_dma semaphore(%run_scoped3A : memref<!tpu.dma_semaphore, #tpu.memory_space<semaphore_mem>>) src(%arg11 : memref<64x128xf32, #tpu.memory_space<vmem>>) dst(%dma_wait3A_60 : memref<10240x128xf32, #tpu.memory_space<vmem_shared>>)
        tpu.yield
      }) : () -> ()
    }
    %scan3A_21 = arith.constant 80 : i32
    %barrier3A_22 = arith.constant 0 : index
    tpu.barrier barrier_id(%barrier3A_22)
    %scan3A_23 = arith.constant 0 : i32
    %scan3A_24 = arith.constant 5 : i32
    %scan3A_25 = arith.addi %scan3A_23, %scan3A_24 : i32
    %scan3A_26 = arith.constant 1 : i32
    scf.for %scan3A_28 = %scan3A_23 to %scan3A_25 step %scan3A_26  : i32 {
      %mul3A_29 = arith.constant 1 : i32
      %mul3A_30 = arith.muli %scan3A_28, %mul3A_29 : i32
      %add3A = arith.constant 0 : i32
      %add3A_31 = arith.addi %add3A, %mul3A_30 : i32
      %mul3A_32 = arith.constant 640 : i32
      %mul3A_33 = arith.muli %arg1, %mul3A_32 : i32
      %mul3A_34 = arith.constant 128 : i32
      %mul3A_35 = arith.muli %add3A_31, %mul3A_34 : i32
      %add3A_36 = arith.addi %mul3A_33, %mul3A_35 : i32
      %mul3A_37 = arith.constant 640 : i32
      %mul3A_38 = arith.muli %arg1, %mul3A_37 : i32
      %mul3A_39 = arith.constant 128 : i32
      %mul3A_40 = arith.muli %add3A_31, %mul3A_39 : i32
      %add3A_41 = arith.addi %mul3A_38, %mul3A_40 : i32
      "tpu.region"() ({
        %run_scoped3A = tpu.sem_alloc : memref<!tpu.dma_semaphore, #tpu.memory_space<semaphore_mem>>
        %dma_start3A_42 = arith.constant 0 : i32
        %dma_start3A_43 = arith.constant 0 : i32
        %dma_start3A_44 = tpu.memref_slice %arg7[%arg0, %dma_start3A_42, %dma_start3A_43] : memref<2x10240x128xf32, #tpu.memory_space<hbm>> -> memref<1x10240x128xf32, #tpu.memory_space<hbm>>
        %dma_start3A_45 = tpu.memref_squeeze %dma_start3A_44 : memref<1x10240x128xf32, #tpu.memory_space<hbm>> -> memref<10240x128xf32, #tpu.memory_space<hbm>>
        %dma_start3A_46 = arith.constant 0 : i32
        %dma_start3A_47 = tpu.memref_slice %dma_start3A_45[%add3A_41, %dma_start3A_46] : memref<10240x128xf32, #tpu.memory_space<hbm>> -> memref<128x128xf32, #tpu.memory_space<hbm>>
        %dma_start3A_48 = arith.constant 0 : i32
        %dma_start3A_49 = tpu.memref_slice %arg12[%add3A_36, %dma_start3A_48] : memref<10240x128xf32, #tpu.memory_space<vmem_shared>> -> memref<128x128xf32, #tpu.memory_space<vmem_shared>>
        tpu.enqueue_dma source(%dma_start3A_49 : memref<128x128xf32, #tpu.memory_space<vmem_shared>>) target(%dma_start3A_47 : memref<128x128xf32, #tpu.memory_space<hbm>>) target_semaphore(%run_scoped3A : memref<!tpu.dma_semaphore, #tpu.memory_space<semaphore_mem>>)
        %dma_wait3A = arith.constant 0 : i32
        %dma_wait3A_50 = arith.constant 0 : i32
        %dma_wait3A_51 = tpu.memref_slice %arg7[%arg0, %dma_wait3A, %dma_wait3A_50] : memref<2x10240x128xf32, #tpu.memory_space<hbm>> -> memref<1x10240x128xf32, #tpu.memory_space<hbm>>
        %dma_wait3A_52 = tpu.memref_squeeze %dma_wait3A_51 : memref<1x10240x128xf32, #tpu.memory_space<hbm>> -> memref<10240x128xf32, #tpu.memory_space<hbm>>
        %dma_wait3A_53 = arith.constant 0 : i32
        %dma_wait3A_54 = tpu.memref_slice %dma_wait3A_52[%add3A_41, %dma_wait3A_53] : memref<10240x128xf32, #tpu.memory_space<hbm>> -> memref<128x128xf32, #tpu.memory_space<hbm>>
        %dma_wait3A_55 = arith.constant 0 : i32
        %dma_wait3A_56 = tpu.memref_slice %arg12[%add3A_36, %dma_wait3A_55] : memref<10240x128xf32, #tpu.memory_space<vmem_shared>> -> memref<128x128xf32, #tpu.memory_space<vmem_shared>>
        tpu.wait_dma2 semaphore(%run_scoped3A : memref<!tpu.dma_semaphore, #tpu.memory_space<semaphore_mem>>) src(%dma_wait3A_56 : memref<128x128xf32, #tpu.memory_space<vmem_shared>>) dst(%dma_wait3A_54 : memref<128x128xf32, #tpu.memory_space<hbm>>)
        tpu.yield
      }) : () -> ()
    }
    %scan3A_27 = arith.constant 5 : i32
    return
  }
}

module attributes {stable_mosaic.version = 14 : i64} {
  func.func @body(%arg0: memref<2x10240xf32, #tpu.memory_space<vmem>>, %arg1: memref<1x10000xf32, #tpu.memory_space<vmem>>) attributes {dimension_semantics = [], scalar_prefetch = 0 : i64, scratch_operands = 0 : i64, tpu.core_type = #tpu.core_type<tc>} {
    %get3A = arith.constant 0 : index
    %get3A_0 = arith.constant 0 : index
    %get3A_1 = vector.load %arg0[%get3A, %get3A_0] : memref<2x10240xf32, #tpu.memory_space<vmem>>, vector<1x10000xf32>
    %get3A_2 = arith.constant 1 : index
    %get3A_3 = arith.constant 0 : index
    %get3A_4 = vector.load %arg0[%get3A_2, %get3A_3] : memref<2x10240xf32, #tpu.memory_space<vmem>>, vector<1x10000xf32>
    %add3A = arith.addf %get3A_1, %get3A_4 : vector<1x10000xf32>
    %max3A = arith.constant 1.000000e+00 : f32
    %max3A_5 = vector.broadcast %max3A : f32 to vector<1x10000xf32>
    %max3A_6 = arith.maximumf %add3A, %max3A_5 : vector<1x10000xf32>
    %rsqrt3A = math.rsqrt %max3A_6 : vector<1x10000xf32>
    %swap3A = arith.constant 0 : index
    %swap3A_7 = arith.constant 0 : index
    %swap3A_8 = vector.load %arg1[%swap3A, %swap3A_7] : memref<1x10000xf32, #tpu.memory_space<vmem>>, vector<1x10000xf32>
    tpu.vector_store %arg1[%swap3A, %swap3A_7], %rsqrt3A {strides = array<i32>} : memref<1x10000xf32, #tpu.memory_space<vmem>>, vector<1x10000xf32>,
    return
  }
}

module attributes {stable_mosaic.version = 14 : i64} {
  func.func @body(%arg0: i32, %arg1: memref<1000x256xf32, #tpu.memory_space<vmem>>, %arg2: memref<1000x1xf32, #tpu.memory_space<vmem>>, %arg3: memref<256x256xf32, #tpu.memory_space<vmem>>, %arg4: memref<2x1000x128xf32, #tpu.memory_space<vmem>>) attributes {dimension_semantics = [#tpu.dimension_semantics<arbitrary>], iteration_bounds = array<i64: 10>, scalar_prefetch = 0 : i64, scratch_operands = 0 : i64, tpu.core_type = #tpu.core_type<tc>, window_params = [{transform_indices = @transform_0, window_bounds = array<i64: 1000, 256>}, {transform_indices = @transform_1, window_bounds = array<i64: 1000, 1>}, {pipeline_mode = #tpu.pipeline_mode<synchronous>, transform_indices = @transform_2, window_bounds = array<i64: 256, 256>}, {transform_indices = @transform_3, window_bounds = array<i64: 2, 1000, 128>}]} {
    %get3A = arith.constant 0 : index
    %get3A_0 = arith.constant 0 : index
    %get3A_1 = vector.load %arg1[%get3A, %get3A_0] : memref<1000x256xf32, #tpu.memory_space<vmem>>, vector<1000x256xf32>
    %get3A_2 = arith.constant 0 : index
    %get3A_3 = arith.constant 0 : index
    %get3A_4 = vector.load %arg2[%get3A_2, %get3A_3] : memref<1000x1xf32, #tpu.memory_space<vmem>>, vector<1000x1xf32>
    %mul3A = vector.broadcast %get3A_4 : vector<1000x1xf32> to vector<1000x256xf32>
    %mul3A_5 = arith.mulf %get3A_1, %mul3A : vector<1000x256xf32>
    %get3A_6 = arith.constant 0 : index
    %get3A_7 = arith.constant 0 : index
    %get3A_8 = vector.load %arg3[%get3A_6, %get3A_7] : memref<256x256xf32, #tpu.memory_space<vmem>>, vector<256x256xf32>
    %dot_general3A = arith.constant dense<0.000000e+00> : vector<1000x256xf32>
    %dot_general3A_9 = tpu.matmul %mul3A_5, %get3A_8, %dot_general3A {dimension_numbers = #tpu.dot_dimension_numbers<[1], [0], [0], [1], [0, 0, 1, 1], [], []>, transpose_lhs_hint = false} : vector<1000x256xf32>, vector<256x256xf32>, vector<1000x256xf32> -> vector<1000x256xf32>
    %slice3A = vector.extract_strided_slice %dot_general3A_9 {offsets = [0, 0], sizes = [1000, 128], strides = [1, 1]} : vector<1000x256xf32> to vector<1000x128xf32>
    %slice3A_10 = vector.extract_strided_slice %dot_general3A_9 {offsets = [0, 128], sizes = [1000, 128], strides = [1, 1]} : vector<1000x256xf32> to vector<1000x128xf32>
    %stack3A = vector.shape_cast %slice3A : vector<1000x128xf32> to vector<1x1000x128xf32>
    %stack3A_11 = vector.shape_cast %slice3A_10 : vector<1000x128xf32> to vector<1x1000x128xf32>
    %stack3A_12 = tpu.concatenate %stack3A, %stack3A_11 in 0 : vector<1x1000x128xf32>, vector<1x1000x128xf32> -> vector<2x1000x128xf32>
    %swap3A = arith.constant 0 : index
    %swap3A_13 = arith.constant 0 : index
    %swap3A_14 = arith.constant 0 : index
    %swap3A_15 = vector.load %arg4[%swap3A, %swap3A_13, %swap3A_14] : memref<2x1000x128xf32, #tpu.memory_space<vmem>>, vector<2x1000x128xf32>
    tpu.vector_store %arg4[%swap3A, %swap3A_13, %swap3A_14], %stack3A_12 {strides = array<i32>} : memref<2x1000x128xf32, #tpu.memory_space<vmem>>, vector<2x1000x128xf32>,
    return
  }
  func.func @transform_0(%arg0: i32) -> (i32, i32) {
    %c0_i32 = arith.constant 0 : i32
    %c0_i32_0 = arith.constant 0 : i32
    return %arg0, %c0_i32 : i32, i32
  }
  func.func @transform_1(%arg0: i32) -> (i32, i32) {
    %c0_i32 = arith.constant 0 : i32
    %c0_i32_0 = arith.constant 0 : i32
    return %arg0, %c0_i32 : i32, i32
  }
  func.func @transform_2(%arg0: i32) -> (i32, i32) {
    %c0_i32 = arith.constant 0 : i32
    %c0_i32_0 = arith.constant 0 : i32
    %c0_i32_1 = arith.constant 0 : i32
    return %c0_i32, %c0_i32_0 : i32, i32
  }
  func.func @transform_3(%arg0: i32) -> (i32, i32, i32) {
    %c0_i32 = arith.constant 0 : i32
    %c0_i32_0 = arith.constant 0 : i32
    %c0_i32_1 = arith.constant 0 : i32
    return %c0_i32, %arg0, %c0_i32_0 : i32, i32, i32
  }
}

module attributes {stable_mosaic.version = 14 : i64} {
  func.func @body(%arg0: i32, %arg1: memref<2x1000x128xf32, #tpu.memory_space<vmem>>, %arg2: memref<1000x1xf32, #tpu.memory_space<vmem>>, %arg3: memref<1x256xf32, #tpu.memory_space<vmem>>, %arg4: memref<256x256xf32, #tpu.memory_space<vmem>>, %arg5: memref<2x1000x128xf32, #tpu.memory_space<vmem>>) attributes {dimension_semantics = [#tpu.dimension_semantics<arbitrary>], iteration_bounds = array<i64: 10>, scalar_prefetch = 0 : i64, scratch_operands = 0 : i64, tpu.core_type = #tpu.core_type<tc>, window_params = [{transform_indices = @transform_0, window_bounds = array<i64: 2, 1000, 128>}, {transform_indices = @transform_1, window_bounds = array<i64: 1000, 1>}, {pipeline_mode = #tpu.pipeline_mode<synchronous>, transform_indices = @transform_2, window_bounds = array<i64: 1, 256>}, {pipeline_mode = #tpu.pipeline_mode<synchronous>, transform_indices = @transform_3, window_bounds = array<i64: 256, 256>}, {transform_indices = @transform_4, window_bounds = array<i64: 2, 1000, 128>}]} {
    %get3A = arith.constant 0 : index
    %get3A_0 = arith.constant 0 : index
    %get3A_1 = arith.constant 0 : index
    %get3A_2 = vector.load %arg1[%get3A, %get3A_0, %get3A_1] : memref<2x1000x128xf32, #tpu.memory_space<vmem>>, vector<2x1000x128xf32>
    %slice3A = vector.extract_strided_slice %get3A_2 {offsets = [0, 0, 0], sizes = [1, 1000, 128], strides = [1, 1, 1]} : vector<2x1000x128xf32> to vector<1x1000x128xf32>
    %squeeze3A = vector.shape_cast %slice3A : vector<1x1000x128xf32> to vector<1000x128xf32>
    %slice3A_3 = vector.extract_strided_slice %get3A_2 {offsets = [1, 0, 0], sizes = [1, 1000, 128], strides = [1, 1, 1]} : vector<2x1000x128xf32> to vector<1x1000x128xf32>
    %squeeze3A_4 = vector.shape_cast %slice3A_3 : vector<1x1000x128xf32> to vector<1000x128xf32>
    %concatenate3A = tpu.concatenate %squeeze3A, %squeeze3A_4 in 1 : vector<1000x128xf32>, vector<1000x128xf32> -> vector<1000x256xf32>
    %get3A_5 = arith.constant 0 : index
    %get3A_6 = arith.constant 0 : index
    %get3A_7 = vector.load %arg2[%get3A_5, %get3A_6] : memref<1000x1xf32, #tpu.memory_space<vmem>>, vector<1000x1xf32>
    %mul3A = vector.broadcast %get3A_7 : vector<1000x1xf32> to vector<1000x256xf32>
    %mul3A_8 = arith.mulf %concatenate3A, %mul3A : vector<1000x256xf32>
    %get3A_9 = arith.constant 0 : index
    %get3A_10 = arith.constant 0 : index
    %get3A_11 = vector.load %arg3[%get3A_9, %get3A_10] : memref<1x256xf32, #tpu.memory_space<vmem>>, vector<1x256xf32>
    %add3A = vector.broadcast %get3A_11 : vector<1x256xf32> to vector<1000x256xf32>
    %add3A_12 = arith.addf %mul3A_8, %add3A : vector<1000x256xf32>
    %max3A = arith.constant 0.000000e+00 : f32
    %max3A_13 = vector.broadcast %max3A : f32 to vector<1000x256xf32>
    %max3A_14 = arith.maximumf %add3A_12, %max3A_13 : vector<1000x256xf32>
    %get3A_15 = arith.constant 0 : index
    %get3A_16 = arith.constant 0 : index
    %get3A_17 = vector.load %arg2[%get3A_15, %get3A_16] : memref<1000x1xf32, #tpu.memory_space<vmem>>, vector<1000x1xf32>
    %mul3A_18 = vector.broadcast %get3A_17 : vector<1000x1xf32> to vector<1000x256xf32>
    %mul3A_19 = arith.mulf %max3A_14, %mul3A_18 : vector<1000x256xf32>
    %get3A_20 = arith.constant 0 : index
    %get3A_21 = arith.constant 0 : index
    %get3A_22 = vector.load %arg4[%get3A_20, %get3A_21] : memref<256x256xf32, #tpu.memory_space<vmem>>, vector<256x256xf32>
    %dot_general3A = arith.constant dense<0.000000e+00> : vector<1000x256xf32>
    %dot_general3A_23 = tpu.matmul %mul3A_19, %get3A_22, %dot_general3A {dimension_numbers = #tpu.dot_dimension_numbers<[1], [0], [0], [1], [0, 0, 1, 1], [], []>, transpose_lhs_hint = false} : vector<1000x256xf32>, vector<256x256xf32>, vector<1000x256xf32> -> vector<1000x256xf32>
    %slice3A_24 = vector.extract_strided_slice %dot_general3A_23 {offsets = [0, 0], sizes = [1000, 128], strides = [1, 1]} : vector<1000x256xf32> to vector<1000x128xf32>
    %slice3A_25 = vector.extract_strided_slice %dot_general3A_23 {offsets = [0, 128], sizes = [1000, 128], strides = [1, 1]} : vector<1000x256xf32> to vector<1000x128xf32>
    %stack3A = vector.shape_cast %slice3A_24 : vector<1000x128xf32> to vector<1x1000x128xf32>
    %stack3A_26 = vector.shape_cast %slice3A_25 : vector<1000x128xf32> to vector<1x1000x128xf32>
    %stack3A_27 = tpu.concatenate %stack3A, %stack3A_26 in 0 : vector<1x1000x128xf32>, vector<1x1000x128xf32> -> vector<2x1000x128xf32>
    %swap3A = arith.constant 0 : index
    %swap3A_28 = arith.constant 0 : index
    %swap3A_29 = arith.constant 0 : index
    %swap3A_30 = vector.load %arg5[%swap3A, %swap3A_28, %swap3A_29] : memref<2x1000x128xf32, #tpu.memory_space<vmem>>, vector<2x1000x128xf32>
    tpu.vector_store %arg5[%swap3A, %swap3A_28, %swap3A_29], %stack3A_27 {strides = array<i32>} : memref<2x1000x128xf32, #tpu.memory_space<vmem>>, vector<2x1000x128xf32>,
    return
  }
  func.func @transform_0(%arg0: i32) -> (i32, i32, i32) {
    %c0_i32 = arith.constant 0 : i32
    %c0_i32_0 = arith.constant 0 : i32
    %c0_i32_1 = arith.constant 0 : i32
    return %c0_i32, %arg0, %c0_i32_0 : i32, i32, i32
  }
  func.func @transform_1(%arg0: i32) -> (i32, i32) {
    %c0_i32 = arith.constant 0 : i32
    %c0_i32_0 = arith.constant 0 : i32
    return %arg0, %c0_i32 : i32, i32
  }
  func.func @transform_2(%arg0: i32) -> (i32, i32) {
    %c0_i32 = arith.constant 0 : i32
    %c0_i32_0 = arith.constant 0 : i32
    %c0_i32_1 = arith.constant 0 : i32
    return %c0_i32, %c0_i32_0 : i32, i32
  }
  func.func @transform_3(%arg0: i32) -> (i32, i32) {
    %c0_i32 = arith.constant 0 : i32
    %c0_i32_0 = arith.constant 0 : i32
    %c0_i32_1 = arith.constant 0 : i32
    return %c0_i32, %c0_i32_0 : i32, i32
  }
  func.func @transform_4(%arg0: i32) -> (i32, i32, i32) {
    %c0_i32 = arith.constant 0 : i32
    %c0_i32_0 = arith.constant 0 : i32
    %c0_i32_1 = arith.constant 0 : i32
    return %c0_i32, %arg0, %c0_i32_0 : i32, i32, i32
  }
}

module attributes {stable_mosaic.version = 14 : i64} {
  func.func @body(%arg0: i32, %arg1: memref<2x1000x128xf32, #tpu.memory_space<vmem>>, %arg2: memref<1000x1xf32, #tpu.memory_space<vmem>>, %arg3: memref<1x256xf32, #tpu.memory_space<vmem>>, %arg4: memref<1000x256xf32, #tpu.memory_space<vmem>>) attributes {dimension_semantics = [#tpu.dimension_semantics<arbitrary>], iteration_bounds = array<i64: 10>, scalar_prefetch = 0 : i64, scratch_operands = 0 : i64, tpu.core_type = #tpu.core_type<tc>, window_params = [{transform_indices = @transform_0, window_bounds = array<i64: 2, 1000, 128>}, {transform_indices = @transform_1, window_bounds = array<i64: 1000, 1>}, {pipeline_mode = #tpu.pipeline_mode<synchronous>, transform_indices = @transform_2, window_bounds = array<i64: 1, 256>}, {transform_indices = @transform_3, window_bounds = array<i64: 1000, 256>}]} {
    %get3A = arith.constant 0 : index
    %get3A_0 = arith.constant 0 : index
    %get3A_1 = arith.constant 0 : index
    %get3A_2 = vector.load %arg1[%get3A, %get3A_0, %get3A_1] : memref<2x1000x128xf32, #tpu.memory_space<vmem>>, vector<2x1000x128xf32>
    %slice3A = vector.extract_strided_slice %get3A_2 {offsets = [0, 0, 0], sizes = [1, 1000, 128], strides = [1, 1, 1]} : vector<2x1000x128xf32> to vector<1x1000x128xf32>
    %squeeze3A = vector.shape_cast %slice3A : vector<1x1000x128xf32> to vector<1000x128xf32>
    %slice3A_3 = vector.extract_strided_slice %get3A_2 {offsets = [1, 0, 0], sizes = [1, 1000, 128], strides = [1, 1, 1]} : vector<2x1000x128xf32> to vector<1x1000x128xf32>
    %squeeze3A_4 = vector.shape_cast %slice3A_3 : vector<1x1000x128xf32> to vector<1000x128xf32>
    %concatenate3A = tpu.concatenate %squeeze3A, %squeeze3A_4 in 1 : vector<1000x128xf32>, vector<1000x128xf32> -> vector<1000x256xf32>
    %get3A_5 = arith.constant 0 : index
    %get3A_6 = arith.constant 0 : index
    %get3A_7 = vector.load %arg2[%get3A_5, %get3A_6] : memref<1000x1xf32, #tpu.memory_space<vmem>>, vector<1000x1xf32>
    %mul3A = vector.broadcast %get3A_7 : vector<1000x1xf32> to vector<1000x256xf32>
    %mul3A_8 = arith.mulf %concatenate3A, %mul3A : vector<1000x256xf32>
    %get3A_9 = arith.constant 0 : index
    %get3A_10 = arith.constant 0 : index
    %get3A_11 = vector.load %arg3[%get3A_9, %get3A_10] : memref<1x256xf32, #tpu.memory_space<vmem>>, vector<1x256xf32>
    %add3A = vector.broadcast %get3A_11 : vector<1x256xf32> to vector<1000x256xf32>
    %add3A_12 = arith.addf %mul3A_8, %add3A : vector<1000x256xf32>
    %max3A = arith.constant 0.000000e+00 : f32
    %max3A_13 = vector.broadcast %max3A : f32 to vector<1000x256xf32>
    %max3A_14 = arith.maximumf %add3A_12, %max3A_13 : vector<1000x256xf32>
    %swap3A = arith.constant 0 : index
    %swap3A_15 = arith.constant 0 : index
    %swap3A_16 = vector.load %arg4[%swap3A, %swap3A_15] : memref<1000x256xf32, #tpu.memory_space<vmem>>, vector<1000x256xf32>
    tpu.vector_store %arg4[%swap3A, %swap3A_15], %max3A_14 {strides = array<i32>} : memref<1000x256xf32, #tpu.memory_space<vmem>>, vector<1000x256xf32>,
    return
  }
  func.func @transform_0(%arg0: i32) -> (i32, i32, i32) {
    %c0_i32 = arith.constant 0 : i32
    %c0_i32_0 = arith.constant 0 : i32
    %c0_i32_1 = arith.constant 0 : i32
    return %c0_i32, %arg0, %c0_i32_0 : i32, i32, i32
  }
  func.func @transform_1(%arg0: i32) -> (i32, i32) {
    %c0_i32 = arith.constant 0 : i32
    %c0_i32_0 = arith.constant 0 : i32
    return %arg0, %c0_i32 : i32, i32
  }
  func.func @transform_2(%arg0: i32) -> (i32, i32) {
    %c0_i32 = arith.constant 0 : i32
    %c0_i32_0 = arith.constant 0 : i32
    %c0_i32_1 = arith.constant 0 : i32
    return %c0_i32, %c0_i32_0 : i32, i32
  }
  func.func @transform_3(%arg0: i32) -> (i32, i32) {
    %c0_i32 = arith.constant 0 : i32
    %c0_i32_0 = arith.constant 0 : i32
    return %arg0, %c0_i32 : i32, i32
  }
}

</mosaic_0001>

<sc_bundles>
// kernel: kernel.11.cloned.1.call-start
scs
__scs_entry_jumppad:
0x0: {  	(pc) =	sbr.rel $0x88, $3  }
0x1: {  	(tag) =	ssettag $0x0;
	lr =	simm.s32 $0x1  }
0x2: {  	[smem:$0x3F99] =	sst lr;
	_ =	strace $0xD0000000  }
0x3: {  	_ = 	snop  }
0x4: {  	_ = 	snop  }
0x5: {  	_ = 	snop  }
0x6: {  	_ = 	snop  }
0x7: {  	_ = 	snop  }
__scs_overlays_trampoline_lowered:
0x8: {  	[smem:$0x3FA8] =	sst s0  }
0x9: {  	[smem:$0x3FA9] =	sst s1  }
0xa: {  	[smem:$0x3FAA] =	sst s2  }
0xb: {  	[smem:$0x3FAB] =	sst s3  }
0xc: {  	[smem:$0x3FAC] =	sst s4  }
0xd: {  	[smem:$0x3FAD] =	sst s5  }
0xe: {  	[smem:$0x3FAE] =	sst s6  }
0xf: {  	[smem:$0x3FAF] =	sst s7  }
0x10: {  	[smem:$0x3FB0] =	sst s8  }
0x11: {  	[smem:$0x3FB1] =	sst s9;
	s0 =	simm.s32 @!p0 $0x0  }
0x12: {  	s1 =	sld [smem:$0x3F97];
	s0 =	simm.s32 @p0 $0x1  }
0x13: {  	[smem:$0x3FB2] =	sst s0;
	s0 =	simm.s32 @!p1 $0x0  }
0x14: {  	s2 =	sld [smem:$0x3F96];
	s0 =	simm.s32 @p1 $0x1  }
0x15: {  	[smem:$0x3FB3] =	sst s0;
	s0 =	simm.s32 @!p2 $0x0  }
0x16: {  	s3 =	sld [smem:$0x3FDB];
	s0 =	simm.s32 @p2 $0x1  }
0x17: {  	s4 =	simm.s32 $0x1BF5;
	[smem:$0x3FB5] =	sst s0  }
0x18: {  	s0 =	sld [smem:$0x3F98];
	_ =	swait.ge [sflag:s4], $0x0  }
0x19: {  	s7 =	sld [smem:$0x3F99]  }
0x1a: {  	s8 =	sadd.s32 $0xFFFFE003, lr  }
0x1b: {  	s9 =	sadd.s32 $0xFFFFFEF7, lr;
	s5 =	simm.s32 $0xFFFFFFFF;
	p2 =	slt.u32 s8, $0xFFFFF086  }
0x1c: {  	p1 =	slt.u32 s9, $0xF7A;
	s5 =	simm.s32 @!p2 $0x0  }
0x1d: {  	s5 =	simm.s32 @p1 $0x1;
	p0 =	seq.s32 s7, s2  }
0x1e: {  	s7 =	smul.u32 @!p0 $0xF7A, s2;
	p2 =	seq.s32 @!p0 s5, $0x0  }
0x1f: {  	s9 =	smul.u32 $0xF7A, s1;
	s8 =	simm.s32 @!p0 $0x1BF5;
	p2 =	por !p2, p0  }
0x20: {  	[sflag:s8] =	ssyncset.s32 @!p0 $0xFFFFF086;
	s6 =	sadd.s32 @!p0 s3, s7;
	s7 =	simm.s32 @!p0 $0x108  }
0x21: {  	s3 =	sadd.s32 s3, s9;
	s6 =	sadd.s32 @!p0 $0x88, s6;
	s7 =	simm.s32 @p2 $0x1082  }
0x22: {  	[simem:s7], [sflag:s8] =	dma.local @!p0 [hbm:s6], $0xF7A  }
0x23: {  	s9 =	sor.u32 $0xD0000000, s2;
	s6 =	simm.s32 $0x108;
	_ =	swait.ge @!p0 [sflag:s8], $0x0  }
0x24: {  	s3 =	sadd.s32 $0x88, s3;
	s6 =	simm.s32 @!p1 $0x1082;
	[sflag:s4] =	ssyncset.s32 $0xFFFFF086  }
0x25: {  	[simem:s6], [sflag:s4] =	dma.local [hbm:s3], $0xF7A  }
0x26: {  	[smem:$0x3F99] =	sst s1;
	(tag) =	ssettag s2;
	_ =	strace s9  }
0x27: {  	s1 =	sld [smem:$0x3FA9]  }
0x28: {  	s2 =	sld [smem:$0x3FAA]  }
0x29: {  	s4 =	sld [smem:$0x3FAC]  }
0x2a: {  	p0 =	seq.s32 s5, $0x0;
	s5 =	sld [smem:$0x3FAD]  }
0x2b: {  	s6 =	sld [smem:$0x3FAE]  }
0x2c: {  	s7 =	sld [smem:$0x3FAF]  }
0x2d: {  	s3 =	simm.s32 $0x108;
	s8 =	sld [smem:$0x3FB0]  }
0x2e: {  	s3 =	simm.s32 @!p0 $0x1082;
	s9 =	sld [smem:$0x3FB1]  }
0x2f: {  	lr =	sadd.s32 s0, s3;
	s0 =	sld [smem:$0x3FA8]  }
0x30: {  	s3 =	sld [smem:$0x3FAB]  }
0x31: {  	[smem:$0x3FB4] =	sst s10  }
0x32: {  	s10 =	sld [smem:$0x3FB2];
	_ =	sdelay $0x3  }
0x33: {  	p0 =	seq.s32 s10, $0x1;
	s10 =	sld [smem:$0x3FB4];
	_ =	sdelay $0x3  }
0x34: {  	[smem:$0x3FB4] =	sst s10  }
0x35: {  	s10 =	sld [smem:$0x3FB3];
	_ =	sdelay $0x3  }
0x36: {  	p1 =	seq.s32 s10, $0x1;
	s10 =	sld [smem:$0x3FB4];
	_ =	sdelay $0x3  }
0x37: {  	[smem:$0x3FB4] =	sst s10  }
0x38: {  	s10 =	sld [smem:$0x3FB5]  }
0x39: {  	_ = 	snop;
	(pc) =	sbr.ind lr, $3  }
0x3a: {  	_ = 	snop  }
0x3b: {  	_ = 	snop  }
0x3c: {  	p2 =	seq.s32 s10, $0x1;
	s10 =	sld [smem:$0x3FB4]  }
0x3d: {  	_ =	shalt  }
0x3e: {  	_ =	shalt  }
0x3f: {  	_ =	shalt  }
0x40: {  	_ =	shalt  }
0x41: {  	_ =	shalt  }
0x42: {  	_ =	shalt  }
0x43: {  	_ =	shalt  }
0x44: {  	_ =	shalt  }
0x45: {  	_ =	shalt  }
0x46: {  	_ =	shalt  }
0x47: {  	_ =	shalt  }
0x48: {  	_ =	shalt  }
0x49: {  	_ =	shalt  }
0x4a: {  	_ =	shalt  }
0x4b: {  	_ =	shalt  }
0x4c: {  	_ =	shalt  }
0x4d: {  	_ =	shalt  }
0x4e: {  	_ =	shalt  }
0x4f: {  	_ =	shalt  }
0x50: {  	_ =	shalt  }
0x51: {  	_ =	shalt  }
0x52: {  	_ =	shalt  }
0x53: {  	_ =	shalt  }
0x54: {  	_ =	shalt  }
0x55: {  	_ =	shalt  }
0x56: {  	_ =	shalt  }
0x57: {  	_ =	shalt  }
0x58: {  	_ =	shalt  }
0x59: {  	_ =	shalt  }
0x5a: {  	_ =	shalt  }
0x5b: {  	_ =	shalt  }
0x5c: {  	_ =	shalt  }
0x5d: {  	_ =	shalt  }
0x5e: {  	_ =	shalt  }
0x5f: {  	_ =	shalt  }
0x60: {  	_ =	shalt  }
0x61: {  	_ =	shalt  }
0x62: {  	_ =	shalt  }
0x63: {  	_ =	shalt  }
0x64: {  	_ =	shalt  }
0x65: {  	_ =	shalt  }
0x66: {  	_ =	shalt  }
0x67: {  	_ =	shalt  }
0x68: {  	_ =	shalt  }
0x69: {  	_ =	shalt  }
0x6a: {  	_ =	shalt  }
0x6b: {  	_ =	shalt  }
0x6c: {  	_ =	shalt  }
0x6d: {  	_ =	shalt  }
0x6e: {  	_ =	shalt  }
0x6f: {  	_ =	shalt  }
0x70: {  	_ =	shalt  }
0x71: {  	_ =	shalt  }
0x72: {  	_ =	shalt  }
0x73: {  	_ =	shalt  }
0x74: {  	_ =	shalt  }
0x75: {  	_ =	shalt  }
0x76: {  	_ =	shalt  }
0x77: {  	_ =	shalt  }
0x78: {  	_ =	shalt  }
0x79: {  	_ =	shalt  }
0x7a: {  	_ =	shalt  }
0x7b: {  	_ =	shalt  }
0x7c: {  	_ =	shalt  }
0x7d: {  	_ =	shalt  }
0x7e: {  	_ =	shalt  }
0x7f: {  	_ =	shalt  }
0x80: {  	_ =	shalt  }
0x81: {  	_ =	shalt  }
0x82: {  	_ =	shalt  }
0x83: {  	_ =	shalt  }
0x84: {  	_ =	shalt  }
0x85: {  	_ =	shalt  }
0x86: {  	_ =	shalt  }
0x87: {  	_ =	shalt  }
.Lfunc_end0:
.L_simem_size_0:
called_computation_lowered:
.L_overlay_start_0:
0x88: {  	s2 =	sld [smem:$0x3FD9]  }
0x89: {  	s3 =	sld [smem:$0x3FFE];
	_ =	sdelay $0x1  }
0x8a: {  	s1 =	srdreg.scid  }
0x8b: {  	s0 =	sand.u32 $0x1, s1  }
0x8c: {  	s17 =	sshll.u32 s0, $0xA;
	s2 =	sadd.s32 s3, s2  }
0x8d: {  	s2 =	sadd.s32 s2, s17  }
0x8e: {  	[smem:$0x3FC0] =	sst s2  }
0x8f: {  	_ = 	snop  }
0x90: {  	s2 =	sld [smem:$0x3FD0];
	(tm) =	ssettm $0x1  }
0x91: {  	s18 =	sld [smem:$0x3FFB];
	_ =	sdelay $0x3  }
0x92: {  	_ =	strace s18  }
0x93: {  	s3 =	sld [smem:$0x3FFC];
	_ =	sdelay $0x3  }
0x94: {  	_ =	strace s3  }
0x95: {  	s3 =	sld [smem:$0x3FFD];
	_ =	sdelay $0x3  }
0x96: {  	_ =	strace s3  }
0x97: {  	_ =	strace $0x8FFFFFFF  }
0x98: {  	s19 =	sld [smem:$0x3FDB];
	_ =	sdelay $0x1  }
0x99: {  	s4 =	simm.s32 $_scs_section_size  }
0x9a: {  	s5 =	simm.s32 $_size__tile_overlayer_lowered;
	s6 =	simm.s32 $_tile_overlayer_lowered  }
0x9b: {  	s22 =	simm.s32 $0x1BFF;
	s21 =	sshll.u32 s6, $0x1;
	s3 =	sadd.s32 s4, s19  }
0x9c: {  	s7 =	simm.s32 $0x0;
	s20 =	sshll.u32 s5, $0x1;
	s5 =	sadd.s32 s21, s3  }
0x9d: {  	[timem:s7], [sflag:s22] =	dma.local [hbm:s5], s20  }
0x9e: {  	_ =	swait.ge [sflag:s22], s20  }
0x9f: {  	s4 =	ssub.s32 $0x0, s20;
	[sflag:s22] =	ssyncset.done $0x0  }
0xa0: {  	[sflag:s22] =	ssyncadd.s32 s4;
	_ =	sdelay $0x1  }
0xa1: {  	s23 =	simm.s32 $0x1B8B  }
0xa2: {  	_ =	swait.ge [sflag:s23], $0x1  }
0xa3: {  	[sflag:s23] =	ssyncset.done $0x0  }
0xa4: {  	s25 =	simm.s32 $0x1B8E;
	s24 =	sld [smem:$0x3FFE];
	[sflag:s23] =	ssyncadd.s32 $0xFFFFFFFF  }
0xa5: {  	s26 =	simm.s32 $execute0_lowered;
	[smem:$0x3FD2] =	sst s25  }
0xa6: {  	s5 =	sshll.u32 s26, $0x1;
	_ =	strace $0x80000046;
	[dreg:$0x1] =	wrdreg $0xFFFFFFFF  }
0xa7: {  	s28 =	simm.s32 $_size_execute0_lowered;
	s3 =	sadd.s32 s3, s5;
	[dreg:$0x0] =	wrdreg $0x0  }
0xa8: {  	s5 =	sshll.u32 s28, $0x1;
	[dreg:$0x2] =	wrdreg s3  }
0xa9: {  	[dreg:$0x3] =	wrdreg s5  }
0xaa: {  	[dreg:$0x4] =	wrdreg $0xC0  }
0xab: {  	_ =	task [dreg:s7], $0x5FFFF  }
0xac: {  	[dreg:$0x1] =	wrdreg $0xFFFFFFFF  }
0xad: {  	[dreg:$0x0] =	wrdreg $0x60  }
0xae: {  	[dreg:$0x2] =	wrdreg s2  }
0xaf: {  	[dreg:$0x3] =	wrdreg s24  }
0xb0: {  	[dreg:$0x4] =	wrdreg $0x14800  }
0xb1: {  	[dreg:$0x5] =	wrdreg $0x9  }
0xb2: {  	_ =	task.clear_ibuf [dreg:s7], $0x6FFFF;
	_ =	strace $0x90000046  }
0xb3: {  	s29 =	simm.s32 $0x9;
	_ =	strace $0x80000048  }
0xb4: {  	_ =	swait.ge [sflag:s29], $0x1  }
0xb5: {  	[sflag:s29] =	ssyncadd.s32 $0xFFFFFFFF  }
0xb6: {  	_ =	strace $0x90000048  }
0xb7: {  	_ =	sfence  }
0xb8: {  	s30 =	sld [smem:$0x0];
	_ =	sdelay $0x2  }
0xb9: {  	s31 =	sshll.u32 s1, $0xD;
	s1 =	sshrl.u32 s1, $0x2  }
0xba: {  	s3 =	sand.u32 $0x4000, s31;
	s1 =	sadd.s32 s1, s30  }
0xbb: {  	s0 =	sor.u32 s3, s0;
	s1 =	sshll.u32 s1, $0x11  }
0xbc: {  	s0 =	sor.u32 s1, s0  }
0xbd: {  	s0 =	sadd.s32 $0x8F2B, s0  }
0xbe: {  	[sflag:s0] =	ssyncadd.remote.s32 $0x1  }
0xbf: {  	_ =	sfence.sel $0xFFFF  }
0xc0: {  	[dreg:$0x0] =	wrdreg $0xFFFFFFFF;
	(pc) =	sbr.abs _section_cstart, $3  }
0xc1: {  	[dreg:$0x1] =	wrdreg $0xFFFFFFFF  }
0xc2: {  	_ =	task.clear_ibuf [dreg:s7], $0x2FFFF;
	_ =	strace $0x9FFFFFFF  }
0xc3: {  	(tm) =	ssettm $0x7FFFFFFF  }
tec
execute0_lowered:
.L_overlay_start_1:
0x0: {  	(tag) =	ssettag $0x1  }
0x1: {  	s7 =	rddreg [dreg:$0x0]  }
0x2: {  	s5 =	rddreg [dreg:$0x1]  }
0x3: {  	s0 =	stileid.u32;
	s2 =	rddreg [dreg:$0x2]  }
0x4: {  	s1 =	rddreg [dreg:$0x3];
	s3 =	simm.s32 $0x0;
	s8 =	srdreg.scid  }
0x5: {  	s16 =	simm.s32 $0x0;
	s6 =	smul.u32 $0x280, s0;
	[smem:$0x7FF] =	sst s3  }
0x6: {  	s8 =	sand.u32 $0x1, s8;
	s12 =	sshll.u32 s0, $0x6;
	s15 =	smul.u32 $0xA0, s0  }
0x7: {  	_ =	strace $0x80000047;
	s10 =	sshll.u32 s8, $0x4;
	s8 =	ssub.s32 $0x2, s8  }
0x8: {  	s4 =	sshrl.u32 s6, $0x3;
	s11 =	sadd.s32 s10, s5;
	s31 =	sshrl.u32 s8, $0x1  }
0x9: {  	s10 =	sor.u32 s0, s10;
	s13 =	sadd.s32 s6, s2;
	s6 =	sor.u32 $0x1C01, s12  }
0xa: {  	s12 =	simm.s32 $0x80;
	s9 =	sadd.s32 s4, s5;
	s4 =	sadd.s32 $0x2000, s5  }
0xb: {  	s8 =	ssub.s32 s8, s31;
	s10 =	smul.u32 $0x280, s10;
	s14 =	sadd.s32 $0x2800, s11  }
0xc: {  	s11 =	simm.s32 $0x1400;
	s5 =	sadd.s32 $0x2200, s9;
	s8 =	smax.u32 s8, $0x1  }
0xd: {  	s9 =	sshrl.u32 s13, $0x3;
	s13 =	sadd.s32 s15, s14;
	s14 =	simm.s32 $0x20  }
0xe: {  	s15 =	simm.s32 $0x10;
	s7 =	sadd.s32 s7, s10;
	s10 =	simm.s32 $0x1  }
.LBB2_1:
0xf: {  	[spmem:s9], [sflag:s6] =	dma.local [hbm:s5], $0x50  }
0x10: {  	_ =	swait.ge [sflag:s10], $0x50  }
0x11: {  	[sflag:s10] =	ssyncset.done $0x0  }
0x12: {  	[sflag:s10] =	ssyncadd.s32 $0xFFFFFFB0  }
0x13: {  	[tilespmem:s3], [sflag:$0x1] =	stream.linear.gather [hbm4b:s7+s3], $0x1400, $0x38;
	[tilespmem:$0x1700] =	vst v63  }
0x14: {  	_ =	swait.ge [sflag:s10], $0x1400  }
0x15: {  	[sflag:s10] =	ssyncset.done $0x0  }
0x16: {  	[sflag:s10] =	ssyncadd.s32 $0xFFFFEC00  }
0x17: {  	[tilespmem:s11], [sflag:$0x1] =	stream.linear.gather [hbm4b:s4+s3], $0x80, $0x38;
	[tilespmem:$0x1700] =	vst v63  }
0x18: {  	_ =	swait.ge [sflag:s10], $0x80  }
0x19: {  	[sflag:s10] =	ssyncset.done $0x0  }
0x1a: {  	[sflag:s10] =	ssyncadd.s32 $0xFFFFFF80  }
0x1b: {  	s17 =	simm.s32 $0x0;
	[bflag:$0x0] =	sbarrier.arrive $0xFFFF  }
0x1c: {  	[spmem:s2] =	stream.indirect.scatter.add.f32 [tilespmem:s11], [sflag:$0x1], $0x1, s17, s12, $0xb8;
	[tilespmem:$0x1700] =	vst v63  }
0x1d: {  	_ =	swait.ge [sflag:s10], $0x80  }
0x1e: {  	s17 =	simm.s32 $0x200;
	[sflag:s10] =	ssyncset.done $0x0  }
.LBB2_2:
0x1f: {  	s18 =	sshra.s32 s17, $0x2;
	[sflag:s10] =	ssyncadd.s32 $0xFFFFFF80;
	p0 =	sne.s32 s17, $0x4E00  }
0x20: {  	[spmem:s2] =	stream.indirect.scatter.add.f32 [tilespmem:s11], [sflag:$0x1], $0x1, s18, s12, $0xb8;
	[tilespmem:$0x1700] =	vst v63  }
.Ltmp0:
0x21: {  	_ = 	snop;
	(pc) =	sbr.rel @p0 .LBB2_2-.Ltmp0, $4  }
0x22: {  	_ = 	snop  }
0x23: {  	s17 =	sadd.s32 $0x200, s17  }
0x24: {  	_ =	swait.ge [sflag:s10], $0x80  }
0x25: {  	[sflag:s10] =	ssyncset.done $0x0  }
0x26: {  	s16 =	sadd.s32 $0x1, s16  }
0x27: {  	[sflag:s10] =	ssyncadd.s32 $0xFFFFFF80;
	p0 =	sne.s32 s16, s8  }
.Ltmp1:
0x28: {  	[bflag:$0x0] =	sbarrier.arrive $0xFFFF;
	(pc) =	sbr.rel @p0 .LBB2_1-.Ltmp1, $4  }
0x29: {  	[hbm:s13@s14], [sflag:s6] =	dma.strided [spmem:s9@s15], $0x50, s10, $0x10   }
0x2a: {  	_ =	swait.ge [sflag:s10], $0x50  }
0x2b: {  	[sflag:s10] =	ssyncset.done $0x0  }
0x2c: {  	[sflag:s10] =	ssyncadd.s32 $0xFFFFFFB0  }
0x2d: {  	_ =	sfence.sel $0x180000  }
0x2e: {  	[bflag:$0x0] =	sbarrier.arrive $0xFFFF  }
0x2f: {  	p0 =	sne.s32 s0, $0x0;
	_ =	strace $0x90000047  }
0x30: {  	s0 =	sadd.s32 @!p0 $0x100000, s1;
	[bflag:$0x2] =	sbarrier.arrive $0xFFFF  }
0x31: {  	[sflag:s0] =	ssyncadd.tile.s32 @!p0 $0x1;
	_ =	shalt  }
.Lfunc_end2:
_tile_overlayer_lowered:
.L_overlay_start_2:
0x32: {  	(tag) =	ssettag $0x2  }
0x33: {  	s0 =	rddreg [dreg:$0x0];
	s2 =	stileid.u32  }
0x34: {  	s1 =	rddreg [dreg:$0x1];
	p0 =	sne.s32 s2, $0x0  }
0x35: {  	s3 =	rddreg [dreg:$0x2];
	[bflag:$0x3] =	sbarrier.arrive $0xFFFF;
	s2 =	simm.s32 @!p0 $0x1C01  }
0x36: {  	[timem:s3], [sflag:s2] =	dma.local @!p0 [hbm:s0], s1  }
0x37: {  	s0 =	simm.s32 @!p0 $0x1  }
0x38: {  	_ =	swait.ge @!p0 [sflag:s0], s1  }
0x39: {  	s1 =	ssub.s32 @!p0 $0x0, s1;
	[sflag:s0] =	ssyncset.done @!p0 $0x0  }
0x3a: {  	[sflag:s0] =	ssyncadd.s32 @!p0 s1  }
0x3b: {  	[bflag:$0x3] =	sbarrier.arrive $0xFFFF  }
0x3c: {  	_ =	shalt  }

// kernel: kernel.14.cloned.1.call-start
scs
__scs_entry_jumppad:
0x0: {  	(pc) =	sbr.rel $0x88, $3  }
0x1: {  	(tag) =	ssettag $0x0;
	lr =	simm.s32 $0x1  }
0x2: {  	[smem:$0x3F99] =	sst lr;
	_ =	strace $0xD0000000  }
0x3: {  	_ = 	snop  }
0x4: {  	_ = 	snop  }
0x5: {  	_ = 	snop  }
0x6: {  	_ = 	snop  }
0x7: {  	_ = 	snop  }
__scs_overlays_trampoline_lowered:
0x8: {  	[smem:$0x3FA8] =	sst s0  }
0x9: {  	[smem:$0x3FA9] =	sst s1  }
0xa: {  	[smem:$0x3FAA] =	sst s2  }
0xb: {  	[smem:$0x3FAB] =	sst s3  }
0xc: {  	[smem:$0x3FAC] =	sst s4  }
0xd: {  	[smem:$0x3FAD] =	sst s5  }
0xe: {  	[smem:$0x3FAE] =	sst s6  }
0xf: {  	[smem:$0x3FAF] =	sst s7  }
0x10: {  	[smem:$0x3FB0] =	sst s8  }
0x11: {  	[smem:$0x3FB1] =	sst s9;
	s0 =	simm.s32 @!p0 $0x0  }
0x12: {  	s1 =	sld [smem:$0x3F97];
	s0 =	simm.s32 @p0 $0x1  }
0x13: {  	[smem:$0x3FB2] =	sst s0;
	s0 =	simm.s32 @!p1 $0x0  }
0x14: {  	s2 =	sld [smem:$0x3F96];
	s0 =	simm.s32 @p1 $0x1  }
0x15: {  	[smem:$0x3FB3] =	sst s0;
	s0 =	simm.s32 @!p2 $0x0  }
0x16: {  	s3 =	sld [smem:$0x3FDB];
	s0 =	simm.s32 @p2 $0x1  }
0x17: {  	s4 =	simm.s32 $0x1BF5;
	[smem:$0x3FB5] =	sst s0  }
0x18: {  	s0 =	sld [smem:$0x3F98];
	_ =	swait.ge [sflag:s4], $0x0  }
0x19: {  	s7 =	sld [smem:$0x3F99]  }
0x1a: {  	s8 =	sadd.s32 $0xFFFFE003, lr  }
0x1b: {  	s9 =	sadd.s32 $0xFFFFFEF7, lr;
	s5 =	simm.s32 $0xFFFFFFFF;
	p2 =	slt.u32 s8, $0xFFFFF086  }
0x1c: {  	p1 =	slt.u32 s9, $0xF7A;
	s5 =	simm.s32 @!p2 $0x0  }
0x1d: {  	s5 =	simm.s32 @p1 $0x1;
	p0 =	seq.s32 s7, s2  }
0x1e: {  	s7 =	smul.u32 @!p0 $0xF7A, s2;
	p2 =	seq.s32 @!p0 s5, $0x0  }
0x1f: {  	s9 =	smul.u32 $0xF7A, s1;
	s8 =	simm.s32 @!p0 $0x1BF5;
	p2 =	por !p2, p0  }
0x20: {  	[sflag:s8] =	ssyncset.s32 @!p0 $0xFFFFF086;
	s6 =	sadd.s32 @!p0 s3, s7;
	s7 =	simm.s32 @!p0 $0x108  }
0x21: {  	s3 =	sadd.s32 s3, s9;
	s6 =	sadd.s32 @!p0 $0x88, s6;
	s7 =	simm.s32 @p2 $0x1082  }
0x22: {  	[simem:s7], [sflag:s8] =	dma.local @!p0 [hbm:s6], $0xF7A  }
0x23: {  	s9 =	sor.u32 $0xD0000000, s2;
	s6 =	simm.s32 $0x108;
	_ =	swait.ge @!p0 [sflag:s8], $0x0  }
0x24: {  	s3 =	sadd.s32 $0x88, s3;
	s6 =	simm.s32 @!p1 $0x1082;
	[sflag:s4] =	ssyncset.s32 $0xFFFFF086  }
0x25: {  	[simem:s6], [sflag:s4] =	dma.local [hbm:s3], $0xF7A  }
0x26: {  	[smem:$0x3F99] =	sst s1;
	(tag) =	ssettag s2;
	_ =	strace s9  }
0x27: {  	s1 =	sld [smem:$0x3FA9]  }
0x28: {  	s2 =	sld [smem:$0x3FAA]  }
0x29: {  	s4 =	sld [smem:$0x3FAC]  }
0x2a: {  	p0 =	seq.s32 s5, $0x0;
	s5 =	sld [smem:$0x3FAD]  }
0x2b: {  	s6 =	sld [smem:$0x3FAE]  }
0x2c: {  	s7 =	sld [smem:$0x3FAF]  }
0x2d: {  	s3 =	simm.s32 $0x108;
	s8 =	sld [smem:$0x3FB0]  }
0x2e: {  	s3 =	simm.s32 @!p0 $0x1082;
	s9 =	sld [smem:$0x3FB1]  }
0x2f: {  	lr =	sadd.s32 s0, s3;
	s0 =	sld [smem:$0x3FA8]  }
0x30: {  	s3 =	sld [smem:$0x3FAB]  }
0x31: {  	[smem:$0x3FB4] =	sst s10  }
0x32: {  	s10 =	sld [smem:$0x3FB2];
	_ =	sdelay $0x3  }
0x33: {  	p0 =	seq.s32 s10, $0x1;
	s10 =	sld [smem:$0x3FB4];
	_ =	sdelay $0x3  }
0x34: {  	[smem:$0x3FB4] =	sst s10  }
0x35: {  	s10 =	sld [smem:$0x3FB3];
	_ =	sdelay $0x3  }
0x36: {  	p1 =	seq.s32 s10, $0x1;
	s10 =	sld [smem:$0x3FB4];
	_ =	sdelay $0x3  }
0x37: {  	[smem:$0x3FB4] =	sst s10  }
0x38: {  	s10 =	sld [smem:$0x3FB5]  }
0x39: {  	_ = 	snop;
	(pc) =	sbr.ind lr, $3  }
0x3a: {  	_ = 	snop  }
0x3b: {  	_ = 	snop  }
0x3c: {  	p2 =	seq.s32 s10, $0x1;
	s10 =	sld [smem:$0x3FB4]  }
0x3d: {  	_ =	shalt  }
0x3e: {  	_ =	shalt  }
0x3f: {  	_ =	shalt  }
0x40: {  	_ =	shalt  }
0x41: {  	_ =	shalt  }
0x42: {  	_ =	shalt  }
0x43: {  	_ =	shalt  }
0x44: {  	_ =	shalt  }
0x45: {  	_ =	shalt  }
0x46: {  	_ =	shalt  }
0x47: {  	_ =	shalt  }
0x48: {  	_ =	shalt  }
0x49: {  	_ =	shalt  }
0x4a: {  	_ =	shalt  }
0x4b: {  	_ =	shalt  }
0x4c: {  	_ =	shalt  }
0x4d: {  	_ =	shalt  }
0x4e: {  	_ =	shalt  }
0x4f: {  	_ =	shalt  }
0x50: {  	_ =	shalt  }
0x51: {  	_ =	shalt  }
0x52: {  	_ =	shalt  }
0x53: {  	_ =	shalt  }
0x54: {  	_ =	shalt  }
0x55: {  	_ =	shalt  }
0x56: {  	_ =	shalt  }
0x57: {  	_ =	shalt  }
0x58: {  	_ =	shalt  }
0x59: {  	_ =	shalt  }
0x5a: {  	_ =	shalt  }
0x5b: {  	_ =	shalt  }
0x5c: {  	_ =	shalt  }
0x5d: {  	_ =	shalt  }
0x5e: {  	_ =	shalt  }
0x5f: {  	_ =	shalt  }
0x60: {  	_ =	shalt  }
0x61: {  	_ =	shalt  }
0x62: {  	_ =	shalt  }
0x63: {  	_ =	shalt  }
0x64: {  	_ =	shalt  }
0x65: {  	_ =	shalt  }
0x66: {  	_ =	shalt  }
0x67: {  	_ =	shalt  }
0x68: {  	_ =	shalt  }
0x69: {  	_ =	shalt  }
0x6a: {  	_ =	shalt  }
0x6b: {  	_ =	shalt  }
0x6c: {  	_ =	shalt  }
0x6d: {  	_ =	shalt  }
0x6e: {  	_ =	shalt  }
0x6f: {  	_ =	shalt  }
0x70: {  	_ =	shalt  }
0x71: {  	_ =	shalt  }
0x72: {  	_ =	shalt  }
0x73: {  	_ =	shalt  }
0x74: {  	_ =	shalt  }
0x75: {  	_ =	shalt  }
0x76: {  	_ =	shalt  }
0x77: {  	_ =	shalt  }
0x78: {  	_ =	shalt  }
0x79: {  	_ =	shalt  }
0x7a: {  	_ =	shalt  }
0x7b: {  	_ =	shalt  }
0x7c: {  	_ =	shalt  }
0x7d: {  	_ =	shalt  }
0x7e: {  	_ =	shalt  }
0x7f: {  	_ =	shalt  }
0x80: {  	_ =	shalt  }
0x81: {  	_ =	shalt  }
0x82: {  	_ =	shalt  }
0x83: {  	_ =	shalt  }
0x84: {  	_ =	shalt  }
0x85: {  	_ =	shalt  }
0x86: {  	_ =	shalt  }
0x87: {  	_ =	shalt  }
.Lfunc_end0:
.L_simem_size_0:
called_computation.1_lowered:
.L_overlay_start_0:
0x88: {  	s2 =	sld [smem:$0x3FD9]  }
0x89: {  	s3 =	sld [smem:$0x3FFE];
	_ =	sdelay $0x1  }
0x8a: {  	s1 =	srdreg.scid  }
0x8b: {  	s0 =	sand.u32 $0x1, s1  }
0x8c: {  	s17 =	sshll.u32 s0, $0xA;
	s2 =	sadd.s32 s3, s2  }
0x8d: {  	s2 =	sadd.s32 s2, s17  }
0x8e: {  	[smem:$0x3FC0] =	sst s2  }
0x8f: {  	_ = 	snop  }
0x90: {  	s2 =	sld [smem:$0x3FD0];
	(tm) =	ssettm $0x1  }
0x91: {  	s18 =	sld [smem:$0x3FFB];
	_ =	sdelay $0x3  }
0x92: {  	_ =	strace s18  }
0x93: {  	s3 =	sld [smem:$0x3FFC];
	_ =	sdelay $0x3  }
0x94: {  	_ =	strace s3  }
0x95: {  	s3 =	sld [smem:$0x3FFD];
	_ =	sdelay $0x3  }
0x96: {  	_ =	strace s3  }
0x97: {  	_ =	strace $0x8FFFFFFF  }
0x98: {  	s19 =	sld [smem:$0x3FDB];
	_ =	sdelay $0x1  }
0x99: {  	s4 =	simm.s32 $_scs_section_size  }
0x9a: {  	s5 =	simm.s32 $_size__tile_overlayer_lowered;
	s6 =	simm.s32 $_tile_overlayer_lowered  }
0x9b: {  	s22 =	simm.s32 $0x1BFF;
	s21 =	sshll.u32 s6, $0x1;
	s3 =	sadd.s32 s4, s19  }
0x9c: {  	s7 =	simm.s32 $0x0;
	s20 =	sshll.u32 s5, $0x1;
	s5 =	sadd.s32 s21, s3  }
0x9d: {  	[timem:s7], [sflag:s22] =	dma.local [hbm:s5], s20  }
0x9e: {  	_ =	swait.ge [sflag:s22], s20  }
0x9f: {  	s4 =	ssub.s32 $0x0, s20;
	[sflag:s22] =	ssyncset.done $0x0  }
0xa0: {  	[sflag:s22] =	ssyncadd.s32 s4;
	_ =	sdelay $0x1  }
0xa1: {  	s23 =	simm.s32 $0x1B8B  }
0xa2: {  	_ =	swait.ge [sflag:s23], $0x1  }
0xa3: {  	[sflag:s23] =	ssyncset.done $0x0  }
0xa4: {  	s25 =	simm.s32 $0x1B8E;
	s24 =	sld [smem:$0x3FFE];
	[sflag:s23] =	ssyncadd.s32 $0xFFFFFFFF  }
0xa5: {  	s26 =	simm.s32 $execute0_lowered;
	[smem:$0x3FD2] =	sst s25  }
0xa6: {  	s5 =	sshll.u32 s26, $0x1;
	_ =	strace $0x80000049;
	[dreg:$0x1] =	wrdreg $0xFFFFFFFF  }
0xa7: {  	s28 =	simm.s32 $_size_execute0_lowered;
	s3 =	sadd.s32 s3, s5;
	[dreg:$0x0] =	wrdreg $0x0  }
0xa8: {  	s5 =	sshll.u32 s28, $0x1;
	[dreg:$0x2] =	wrdreg s3  }
0xa9: {  	[dreg:$0x3] =	wrdreg s5  }
0xaa: {  	[dreg:$0x4] =	wrdreg $0xC0  }
0xab: {  	_ =	task [dreg:s7], $0x5FFFF  }
0xac: {  	[dreg:$0x1] =	wrdreg $0xFFFFFFFF  }
0xad: {  	[dreg:$0x0] =	wrdreg $0x60  }
0xae: {  	[dreg:$0x2] =	wrdreg s2  }
0xaf: {  	[dreg:$0x3] =	wrdreg s24  }
0xb0: {  	[dreg:$0x4] =	wrdreg $0xB8000  }
0xb1: {  	[dreg:$0x5] =	wrdreg $0x9  }
0xb2: {  	_ =	task.clear_ibuf [dreg:s7], $0x6FFFF;
	_ =	strace $0x90000049  }
0xb3: {  	s29 =	simm.s32 $0x9;
	_ =	strace $0x8000004B  }
0xb4: {  	_ =	swait.ge [sflag:s29], $0x1  }
0xb5: {  	[sflag:s29] =	ssyncadd.s32 $0xFFFFFFFF  }
0xb6: {  	_ =	strace $0x9000004B  }
0xb7: {  	_ =	sfence  }
0xb8: {  	s30 =	sld [smem:$0x0];
	_ =	sdelay $0x2  }
0xb9: {  	s31 =	sshll.u32 s1, $0xD;
	s1 =	sshrl.u32 s1, $0x2  }
0xba: {  	s3 =	sand.u32 $0x4000, s31;
	s1 =	sadd.s32 s1, s30  }
0xbb: {  	s0 =	sor.u32 s3, s0;
	s1 =	sshll.u32 s1, $0x11  }
0xbc: {  	s0 =	sor.u32 s1, s0  }
0xbd: {  	s0 =	sadd.s32 $0x8F2B, s0  }
0xbe: {  	[sflag:s0] =	ssyncadd.remote.s32 $0x1  }
0xbf: {  	_ =	sfence.sel $0xFFFF  }
0xc0: {  	[dreg:$0x0] =	wrdreg $0xFFFFFFFF;
	(pc) =	sbr.abs _section_cstart, $3  }
0xc1: {  	[dreg:$0x1] =	wrdreg $0xFFFFFFFF  }
0xc2: {  	_ =	task.clear_ibuf [dreg:s7], $0x2FFFF;
	_ =	strace $0x9FFFFFFF  }
0xc3: {  	(tm) =	ssettm $0x7FFFFFFF  }
tec
execute0_lowered:
.L_overlay_start_1:
0x0: {  	(tag) =	ssettag $0x1  }
0x1: {  	s0 =	rddreg [dreg:$0x0]  }
0x2: {  	s1 =	rddreg [dreg:$0x1];
	s12 =	stileid.u32  }
0x3: {  	s2 =	rddreg [dreg:$0x2];
	s4 =	smul.u32 $0x500, s12  }
0x4: {  	s3 =	simm.s32 $0x0;
	s5 =	srdreg.scid;
	s6 =	smul.u32 $0xA00, s12  }
0x5: {  	s28 =	simm.s32 $0x7800;
	s29 =	simm.s32 $0x40;
	s9 =	smul.u32 $0x280, s12  }
0x6: {  	s30 =	simm.s32 $0x9800;
	s31 =	simm.s32 $0x1;
	s26 =	smul.u32 $0x50000, s12  }
0x7: {  	[smem:$0x7FF] =	sst s3;
	s5 =	sand.u32 $0x1, s5;
	s15 =	smul.u32 $0x2800, s12  }
0x8: {  	s10 =	sadd.s32 $0x12200, s1;
	s17 =	sshll.u32 s12, $0x6;
	s7 =	smul.u32 $0x28000, s5  }
0x9: {  	_ =	strace $0x8000004A;
	s8 =	ssub.s32 $0x2, s5;
	s5 =	smul.u32 $0x27100, s5  }
0xa: {  	s12 =	sor.u32 $0x1C03, s17;
	s4 =	sadd.s32 s4, s1;
	s6 =	sadd.s32 s6, s1  }
0xb: {  	s11 =	sshrl.u32 s8, $0x1;
	s14 =	sshrl.u32 s26, $0x2;
	[dreg:$0x6] =	wrdreg s15  }
0xc: {  	s18 =	sadd.s32 $0x80, s9;
	s20 =	sadd.s32 $0x100, s9;
	s23 =	sadd.s32 $0x180, s9  }
0xd: {  	s25 =	sadd.s32 $0x200, s9;
	s1 =	sadd.s32 s7, s1;
	s8 =	ssub.s32 s8, s11  }
0xe: {  	s4 =	sadd.s32 $0xD200, s4;
	s13 =	sadd.s32 $0x3200, s6;
	s6 =	sadd.s32 s0, s5  }
0xf: {  	s0 =	sadd.s32 s14, s2;
	s19 =	sshll.u32 s18, $0x7;
	s22 =	sshll.u32 s20, $0x7  }
0x10: {  	s17 =	sshll.u32 s20, $0x4;
	s24 =	sshll.u32 s23, $0x7;
	s20 =	sshll.u32 s23, $0x4  }
0x11: {  	s26 =	sshll.u32 s25, $0x7;
	s23 =	sshll.u32 s25, $0x4;
	[dreg:$0x4] =	wrdreg s4  }
0x12: {  	s25 =	simm.s32 $0x3;
	[dreg:$0x5] =	wrdreg s13;
	s7 =	sadd.s32 $0x3A200, s1  }
0x13: {  	[dreg:$0x7] =	wrdreg s0;
	s16 =	smax.u32 s8, $0x1;
	s1 =	sadd.s32 s10, s15  }
0x14: {  	s13 =	sshll.u32 s18, $0x4;
	s18 =	sadd.s32 s10, s17;
	[dreg:$0x8] =	wrdreg s16  }
0x15: {  	s0 =	simm.s32 $0x2;
	[dreg:$0x9] =	wrdreg s1;
	s1 =	sadd.s32 s19, s2  }
0x16: {  	s21 =	sadd.s32 s10, s13;
	s16 =	sadd.s32 s22, s2;
	s19 =	sadd.s32 s24, s2  }
0x17: {  	s22 =	sadd.s32 s26, s2;
	s24 =	sadd.s32 s10, s23;
	[dreg:$0xa] =	wrdreg s1  }
0x18: {  	s26 =	simm.s32 $0x0;
	[dreg:$0xb] =	wrdreg s21;
	s21 =	sadd.s32 s10, s20  }
.LBB2_1:
0x19: {  	s1 =	rddreg [dreg:$0x7]  }
0x1a: {  	s4 =	rddreg [dreg:$0x9];
	s1 =	sshrl.u32 s1, $0x3  }
0x1b: {  	[spmem:s1], [sflag:s12] =	dma.local [hbm:s4], $0x800  }
0x1c: {  	_ =	swait.ge [sflag:s25], $0x800  }
0x1d: {  	[sflag:s25] =	ssyncset.done $0x0;
	s14 =	rddreg [dreg:$0xa]  }
0x1e: {  	s5 =	rddreg [dreg:$0xb];
	[sflag:s25] =	ssyncadd.s32 $0xFFFFF800;
	s4 =	sshrl.u32 s14, $0x3  }
0x1f: {  	[spmem:s4], [sflag:s12] =	dma.local [hbm:s5], $0x800  }
0x20: {  	_ =	swait.ge [sflag:s25], $0x800  }
0x21: {  	[sflag:s25] =	ssyncset.done $0x0  }
0x22: {  	s5 =	sshrl.u32 s16, $0x3;
	[sflag:s25] =	ssyncadd.s32 $0xFFFFF800  }
0x23: {  	[spmem:s5], [sflag:s12] =	dma.local [hbm:s18], $0x800  }
0x24: {  	_ =	swait.ge [sflag:s25], $0x800  }
0x25: {  	[sflag:s25] =	ssyncset.done $0x0  }
0x26: {  	s9 =	sshrl.u32 s19, $0x3;
	[sflag:s25] =	ssyncadd.s32 $0xFFFFF800  }
0x27: {  	[spmem:s9], [sflag:s12] =	dma.local [hbm:s21], $0x800  }
0x28: {  	_ =	swait.ge [sflag:s25], $0x800  }
0x29: {  	[sflag:s25] =	ssyncset.done $0x0  }
0x2a: {  	s10 =	sshrl.u32 s22, $0x3;
	[sflag:s25] =	ssyncadd.s32 $0xFFFFF800  }
0x2b: {  	[spmem:s10], [sflag:s12] =	dma.local [hbm:s24], $0x800  }
0x2c: {  	_ =	swait.ge [sflag:s25], $0x800  }
0x2d: {  	[sflag:s25] =	ssyncset.done $0x0  }
0x2e: {  	s8 =	rddreg [dreg:$0x4];
	[sflag:s25] =	ssyncadd.s32 $0xFFFFF800  }
0x2f: {  	[tilespmem:s3], [sflag:$0x3] =	stream.linear.gather [hbm4b:s8+s3], $0x2800, $0x38;
	[tilespmem:$0x1F800] =	vst v63  }
0x30: {  	_ =	swait.ge [sflag:s25], $0x2800  }
0x31: {  	[sflag:s25] =	ssyncset.done $0x0  }
0x32: {  	s11 =	simm.s32 $0x2800;
	s15 =	rddreg [dreg:$0x5];
	[sflag:s25] =	ssyncadd.s32 $0xFFFFD800  }
0x33: {  	[tilespmem:s11], [sflag:$0x3] =	stream.linear.gather [hbm4b:s15+s3], $0x5000, $0x38;
	[tilespmem:$0x1F800] =	vst v63  }
0x34: {  	_ =	swait.ge [sflag:s25], $0x5000  }
0x35: {  	[sflag:s25] =	ssyncset.done $0x0  }
0x36: {  	[sflag:s25] =	ssyncadd.s32 $0xFFFFB000  }
0x37: {  	[bflag:$0x0] =	sbarrier.arrive $0xFFFF  }
0x38: {  	[tilespmem:s28], [sflag:$0x1] =	stream.indirect.gather [hbm4b:s6+s29], $0x80, s3, s29, $0xb8;
	[tilespmem:$0x1F800] =	vst v63  }
0x39: {  	_ = 	snop  }
0x3a: {  	[tilespmem:s30], [sflag:$0x2] =	stream.indirect.gather [hbm4b:s6+s29], $0x80, s29, s29, $0xb8;
	[tilespmem:$0x1F800] =	vst v63  }
0x3b: {  	_ =	swait.ge [sflag:s31], $0x2000  }
0x3c: {  	[sflag:s31] =	ssyncset.done $0x0  }
0x3d: {  	s11 =	simm.s32 $0x2800;
	[sflag:s31] =	ssyncadd.s32 $0xFFFFE000  }
0x3e: {  	[spmem:s2] =	stream.indirect.scatter.add.f32 [tilespmem:s28], [sflag:$0x3], $0x80, s11, s29, $0xb8;
	[tilespmem:$0x1F800] =	vst v63  }
0x3f: {  	_ =	swait.ge [sflag:s25], $0x2000  }
0x40: {  	[sflag:s25] =	ssyncset.done $0x0  }
0x41: {  	s14 =	simm.s32 $0x80;
	[sflag:s25] =	ssyncadd.s32 $0xFFFFE000  }
0x42: {  	[tilespmem:s28], [sflag:$0x1] =	stream.indirect.gather [hbm4b:s6+s29], $0x80, s14, s29, $0xb8;
	[tilespmem:$0x1F800] =	vst v63  }
0x43: {  	_ =	swait.ge [sflag:s0], $0x2000  }
0x44: {  	[sflag:s0] =	ssyncset.done $0x0  }
0x45: {  	s15 =	simm.s32 $0x2880;
	[sflag:s0] =	ssyncadd.s32 $0xFFFFE000  }
0x46: {  	[spmem:s2] =	stream.indirect.scatter.add.f32 [tilespmem:s30], [sflag:$0x3], $0x80, s15, s29, $0xb8;
	[tilespmem:$0x1F800] =	vst v63  }
0x47: {  	_ =	swait.ge [sflag:s25], $0x2000  }
0x48: {  	s8 =	simm.s32 $0x40;
	s11 =	simm.s32 $0x400;
	[sflag:s25] =	ssyncset.done $0x0  }
.LBB2_2:
0x49: {  	p0 =	sne.s32 s11, $0x13800;
	[sflag:s25] =	ssyncadd.s32 $0xFFFFE000;
	s8 =	sadd.s32 $0x80, s8  }
0x4a: {  	[tilespmem:s30], [sflag:$0x2] =	stream.indirect.gather [hbm4b:s6+s29], $0x80, s8, s29, $0xb8;
	[tilespmem:$0x1F800] =	vst v63  }
0x4b: {  	s14 =	smov.u32 s11;
	s11 =	sadd.s32 $0x400, s11;
	_ =	swait.ge [sflag:s31], $0x2000  }
0x4c: {  	s14 =	sshra.s32 s14, $0x2;
	[sflag:s31] =	ssyncset.done $0x0  }
0x4d: {  	s15 =	sadd.s32 $0x2800, s14;
	[sflag:s31] =	ssyncadd.s32 $0xFFFFE000  }
0x4e: {  	[spmem:s2] =	stream.indirect.scatter.add.f32 [tilespmem:s28], [sflag:$0x3], $0x80, s15, s29, $0xb8;
	[tilespmem:$0x1F800] =	vst v63  }
0x4f: {  	_ =	swait.ge [sflag:s25], $0x2000  }
0x50: {  	[sflag:s25] =	ssyncset.done $0x0  }
0x51: {  	s15 =	sadd.s32 $0x40, s8;
	[sflag:s25] =	ssyncadd.s32 $0xFFFFE000  }
0x52: {  	[tilespmem:s28], [sflag:$0x1] =	stream.indirect.gather [hbm4b:s6+s29], $0x80, s15, s29, $0xb8;
	[tilespmem:$0x1F800] =	vst v63  }
0x53: {  	_ =	swait.ge [sflag:s0], $0x2000  }
.Ltmp0:
0x54: {  	[sflag:s0] =	ssyncset.done $0x0;
	(pc) =	sbr.rel @p0 .LBB2_2-.Ltmp0, $4  }
0x55: {  	s14 =	sadd.s32 $0x2880, s14;
	[sflag:s0] =	ssyncadd.s32 $0xFFFFE000  }
0x56: {  	[spmem:s2] =	stream.indirect.scatter.add.f32 [tilespmem:s30], [sflag:$0x3], $0x80, s14, s29, $0xb8;
	[tilespmem:$0x1F800] =	vst v63  }
0x57: {  	_ =	swait.ge [sflag:s25], $0x2000  }
0x58: {  	[sflag:s25] =	ssyncset.done $0x0  }
0x59: {  	[sflag:s25] =	ssyncadd.s32 $0xFFFFE000;
	s8 =	simm.s32 $0x27C0  }
0x5a: {  	[tilespmem:s30], [sflag:$0x2] =	stream.indirect.gather [hbm4b:s6+s29], $0x80, s8, s29, $0xb8;
	[tilespmem:$0x1F800] =	vst v63  }
0x5b: {  	_ =	swait.ge [sflag:s31], $0x2000  }
0x5c: {  	[sflag:s31] =	ssyncset.done $0x0  }
0x5d: {  	s15 =	simm.s32 $0x7700;
	[sflag:s31] =	ssyncadd.s32 $0xFFFFE000  }
0x5e: {  	[spmem:s2] =	stream.indirect.scatter.add.f32 [tilespmem:s28], [sflag:$0x3], $0x80, s15, s29, $0xb8;
	[tilespmem:$0x1F800] =	vst v63  }
0x5f: {  	_ =	swait.ge [sflag:s25], $0x2000  }
0x60: {  	[sflag:s25] =	ssyncset.done $0x0  }
0x61: {  	[sflag:s25] =	ssyncadd.s32 $0xFFFFE000  }
0x62: {  	_ =	swait.ge [sflag:s0], $0x2000  }
0x63: {  	[sflag:s0] =	ssyncset.done $0x0  }
0x64: {  	s11 =	simm.s32 $0x7780;
	[sflag:s0] =	ssyncadd.s32 $0xFFFFE000  }
0x65: {  	[spmem:s2] =	stream.indirect.scatter.add.f32 [tilespmem:s30], [sflag:$0x3], $0x80, s11, s29, $0xb8;
	[tilespmem:$0x1F800] =	vst v63  }
0x66: {  	_ =	swait.ge [sflag:s25], $0x2000  }
0x67: {  	[sflag:s25] =	ssyncset.done $0x0  }
0x68: {  	[sflag:s25] =	ssyncadd.s32 $0xFFFFE000  }
0x69: {  	[bflag:$0x0] =	sbarrier.arrive $0xFFFF  }
0x6a: {  	s14 =	rddreg [dreg:$0x6]  }
0x6b: {  	s8 =	sadd.s32 s14, s7  }
0x6c: {  	[hbm:s8], [sflag:s12] =	dma.local [spmem:s1], $0x800  }
0x6d: {  	_ =	swait.ge [sflag:s25], $0x800  }
0x6e: {  	[sflag:s25] =	ssyncset.done $0x0  }
0x6f: {  	s15 =	sadd.s32 s13, s7;
	[sflag:s25] =	ssyncadd.s32 $0xFFFFF800  }
0x70: {  	[hbm:s15], [sflag:s12] =	dma.local [spmem:s4], $0x800  }
0x71: {  	_ =	swait.ge [sflag:s25], $0x800  }
0x72: {  	[sflag:s25] =	ssyncset.done $0x0  }
0x73: {  	s8 =	sadd.s32 s17, s7;
	[sflag:s25] =	ssyncadd.s32 $0xFFFFF800  }
0x74: {  	[hbm:s8], [sflag:s12] =	dma.local [spmem:s5], $0x800  }
0x75: {  	_ =	swait.ge [sflag:s25], $0x800  }
0x76: {  	[sflag:s25] =	ssyncset.done $0x0  }
0x77: {  	s11 =	sadd.s32 s20, s7;
	[sflag:s25] =	ssyncadd.s32 $0xFFFFF800  }
0x78: {  	[hbm:s11], [sflag:s12] =	dma.local [spmem:s9], $0x800  }
0x79: {  	_ =	swait.ge [sflag:s25], $0x800  }
0x7a: {  	[sflag:s25] =	ssyncset.done $0x0  }
0x7b: {  	s14 =	sadd.s32 s23, s7;
	[sflag:s25] =	ssyncadd.s32 $0xFFFFF800  }
0x7c: {  	[hbm:s14], [sflag:s12] =	dma.local [spmem:s10], $0x800  }
0x7d: {  	_ =	swait.ge [sflag:s25], $0x800  }
0x7e: {  	s26 =	sadd.s32 $0x1, s26;
	s15 =	rddreg [dreg:$0x8]  }
0x7f: {  	p0 =	sne.s32 s26, s15  }
.Ltmp1:
0x80: {  	_ = 	snop;
	(pc) =	sbr.rel @p0 .LBB2_1-.Ltmp1, $3  }
0x81: {  	_ =	sdelay $0x1  }
0x82: {  	[sflag:s25] =	ssyncset.done $0x0  }
0x83: {  	[sflag:s25] =	ssyncadd.s32 $0xFFFFF800  }
0x84: {  	_ =	sfence.sel $0x180000  }
0x85: {  	[bflag:$0x0] =	sbarrier.arrive $0xFFFF  }
0x86: {  	_ =	strace $0x9000004A  }
0x87: {  	s0 =	stileid.u32;
	[bflag:$0x2] =	sbarrier.arrive $0xFFFF  }
0x88: {  	p0 =	sne.s32 s0, $0x0;
	s0 =	rddreg [dreg:$0x3]  }
0x89: {  	s0 =	sadd.s32 @!p0 $0x100000, s0  }
0x8a: {  	[sflag:s0] =	ssyncadd.tile.s32 @!p0 $0x1;
	_ =	shalt  }
.Lfunc_end2:
_tile_overlayer_lowered:
.L_overlay_start_2:
0x8b: {  	(tag) =	ssettag $0x2  }
0x8c: {  	s0 =	rddreg [dreg:$0x0];
	s2 =	stileid.u32  }
0x8d: {  	s1 =	rddreg [dreg:$0x1];
	p0 =	sne.s32 s2, $0x0  }
0x8e: {  	s3 =	rddreg [dreg:$0x2];
	[bflag:$0x3] =	sbarrier.arrive $0xFFFF;
	s2 =	simm.s32 @!p0 $0x1C03  }
0x8f: {  	[timem:s3], [sflag:s2] =	dma.local @!p0 [hbm:s0], s1  }
0x90: {  	s0 =	simm.s32 @!p0 $0x3  }
0x91: {  	_ =	swait.ge @!p0 [sflag:s0], s1  }
0x92: {  	s1 =	ssub.s32 @!p0 $0x0, s1;
	[sflag:s0] =	ssyncset.done @!p0 $0x0  }
0x93: {  	[sflag:s0] =	ssyncadd.s32 @!p0 s1  }
0x94: {  	[bflag:$0x3] =	sbarrier.arrive $0xFFFF  }
0x95: {  	_ =	shalt  }

// kernel: kernel.17.cloned.1.call-start
scs
__scs_entry_jumppad:
0x0: {  	(pc) =	sbr.rel $0x88, $3  }
0x1: {  	(tag) =	ssettag $0x0;
	lr =	simm.s32 $0x1  }
0x2: {  	[smem:$0x3F99] =	sst lr;
	_ =	strace $0xD0000000  }
0x3: {  	_ = 	snop  }
0x4: {  	_ = 	snop  }
0x5: {  	_ = 	snop  }
0x6: {  	_ = 	snop  }
0x7: {  	_ = 	snop  }
__scs_overlays_trampoline_lowered:
0x8: {  	[smem:$0x3FA8] =	sst s0  }
0x9: {  	[smem:$0x3FA9] =	sst s1  }
0xa: {  	[smem:$0x3FAA] =	sst s2  }
0xb: {  	[smem:$0x3FAB] =	sst s3  }
0xc: {  	[smem:$0x3FAC] =	sst s4  }
0xd: {  	[smem:$0x3FAD] =	sst s5  }
0xe: {  	[smem:$0x3FAE] =	sst s6  }
0xf: {  	[smem:$0x3FAF] =	sst s7  }
0x10: {  	[smem:$0x3FB0] =	sst s8  }
0x11: {  	[smem:$0x3FB1] =	sst s9;
	s0 =	simm.s32 @!p0 $0x0  }
0x12: {  	s1 =	sld [smem:$0x3F97];
	s0 =	simm.s32 @p0 $0x1  }
0x13: {  	[smem:$0x3FB2] =	sst s0;
	s0 =	simm.s32 @!p1 $0x0  }
0x14: {  	s2 =	sld [smem:$0x3F96];
	s0 =	simm.s32 @p1 $0x1  }
0x15: {  	[smem:$0x3FB3] =	sst s0;
	s0 =	simm.s32 @!p2 $0x0  }
0x16: {  	s3 =	sld [smem:$0x3FDB];
	s0 =	simm.s32 @p2 $0x1  }
0x17: {  	s4 =	simm.s32 $0x1BF5;
	[smem:$0x3FB5] =	sst s0  }
0x18: {  	s0 =	sld [smem:$0x3F98];
	_ =	swait.ge [sflag:s4], $0x0  }
0x19: {  	s7 =	sld [smem:$0x3F99]  }
0x1a: {  	s8 =	sadd.s32 $0xFFFFE003, lr  }
0x1b: {  	s9 =	sadd.s32 $0xFFFFFEF7, lr;
	s5 =	simm.s32 $0xFFFFFFFF;
	p2 =	slt.u32 s8, $0xFFFFF086  }
0x1c: {  	p1 =	slt.u32 s9, $0xF7A;
	s5 =	simm.s32 @!p2 $0x0  }
0x1d: {  	s5 =	simm.s32 @p1 $0x1;
	p0 =	seq.s32 s7, s2  }
0x1e: {  	s7 =	smul.u32 @!p0 $0xF7A, s2;
	p2 =	seq.s32 @!p0 s5, $0x0  }
0x1f: {  	s9 =	smul.u32 $0xF7A, s1;
	s8 =	simm.s32 @!p0 $0x1BF5;
	p2 =	por !p2, p0  }
0x20: {  	[sflag:s8] =	ssyncset.s32 @!p0 $0xFFFFF086;
	s6 =	sadd.s32 @!p0 s3, s7;
	s7 =	simm.s32 @!p0 $0x108  }
0x21: {  	s3 =	sadd.s32 s3, s9;
	s6 =	sadd.s32 @!p0 $0x88, s6;
	s7 =	simm.s32 @p2 $0x1082  }
0x22: {  	[simem:s7], [sflag:s8] =	dma.local @!p0 [hbm:s6], $0xF7A  }
0x23: {  	s9 =	sor.u32 $0xD0000000, s2;
	s6 =	simm.s32 $0x108;
	_ =	swait.ge @!p0 [sflag:s8], $0x0  }
0x24: {  	s3 =	sadd.s32 $0x88, s3;
	s6 =	simm.s32 @!p1 $0x1082;
	[sflag:s4] =	ssyncset.s32 $0xFFFFF086  }
0x25: {  	[simem:s6], [sflag:s4] =	dma.local [hbm:s3], $0xF7A  }
0x26: {  	[smem:$0x3F99] =	sst s1;
	(tag) =	ssettag s2;
	_ =	strace s9  }
0x27: {  	s1 =	sld [smem:$0x3FA9]  }
0x28: {  	s2 =	sld [smem:$0x3FAA]  }
0x29: {  	s4 =	sld [smem:$0x3FAC]  }
0x2a: {  	p0 =	seq.s32 s5, $0x0;
	s5 =	sld [smem:$0x3FAD]  }
0x2b: {  	s6 =	sld [smem:$0x3FAE]  }
0x2c: {  	s7 =	sld [smem:$0x3FAF]  }
0x2d: {  	s3 =	simm.s32 $0x108;
	s8 =	sld [smem:$0x3FB0]  }
0x2e: {  	s3 =	simm.s32 @!p0 $0x1082;
	s9 =	sld [smem:$0x3FB1]  }
0x2f: {  	lr =	sadd.s32 s0, s3;
	s0 =	sld [smem:$0x3FA8]  }
0x30: {  	s3 =	sld [smem:$0x3FAB]  }
0x31: {  	[smem:$0x3FB4] =	sst s10  }
0x32: {  	s10 =	sld [smem:$0x3FB2];
	_ =	sdelay $0x3  }
0x33: {  	p0 =	seq.s32 s10, $0x1;
	s10 =	sld [smem:$0x3FB4];
	_ =	sdelay $0x3  }
0x34: {  	[smem:$0x3FB4] =	sst s10  }
0x35: {  	s10 =	sld [smem:$0x3FB3];
	_ =	sdelay $0x3  }
0x36: {  	p1 =	seq.s32 s10, $0x1;
	s10 =	sld [smem:$0x3FB4];
	_ =	sdelay $0x3  }
0x37: {  	[smem:$0x3FB4] =	sst s10  }
0x38: {  	s10 =	sld [smem:$0x3FB5]  }
0x39: {  	_ = 	snop;
	(pc) =	sbr.ind lr, $3  }
0x3a: {  	_ = 	snop  }
0x3b: {  	_ = 	snop  }
0x3c: {  	p2 =	seq.s32 s10, $0x1;
	s10 =	sld [smem:$0x3FB4]  }
0x3d: {  	_ =	shalt  }
0x3e: {  	_ =	shalt  }
0x3f: {  	_ =	shalt  }
0x40: {  	_ =	shalt  }
0x41: {  	_ =	shalt  }
0x42: {  	_ =	shalt  }
0x43: {  	_ =	shalt  }
0x44: {  	_ =	shalt  }
0x45: {  	_ =	shalt  }
0x46: {  	_ =	shalt  }
0x47: {  	_ =	shalt  }
0x48: {  	_ =	shalt  }
0x49: {  	_ =	shalt  }
0x4a: {  	_ =	shalt  }
0x4b: {  	_ =	shalt  }
0x4c: {  	_ =	shalt  }
0x4d: {  	_ =	shalt  }
0x4e: {  	_ =	shalt  }
0x4f: {  	_ =	shalt  }
0x50: {  	_ =	shalt  }
0x51: {  	_ =	shalt  }
0x52: {  	_ =	shalt  }
0x53: {  	_ =	shalt  }
0x54: {  	_ =	shalt  }
0x55: {  	_ =	shalt  }
0x56: {  	_ =	shalt  }
0x57: {  	_ =	shalt  }
0x58: {  	_ =	shalt  }
0x59: {  	_ =	shalt  }
0x5a: {  	_ =	shalt  }
0x5b: {  	_ =	shalt  }
0x5c: {  	_ =	shalt  }
0x5d: {  	_ =	shalt  }
0x5e: {  	_ =	shalt  }
0x5f: {  	_ =	shalt  }
0x60: {  	_ =	shalt  }
0x61: {  	_ =	shalt  }
0x62: {  	_ =	shalt  }
0x63: {  	_ =	shalt  }
0x64: {  	_ =	shalt  }
0x65: {  	_ =	shalt  }
0x66: {  	_ =	shalt  }
0x67: {  	_ =	shalt  }
0x68: {  	_ =	shalt  }
0x69: {  	_ =	shalt  }
0x6a: {  	_ =	shalt  }
0x6b: {  	_ =	shalt  }
0x6c: {  	_ =	shalt  }
0x6d: {  	_ =	shalt  }
0x6e: {  	_ =	shalt  }
0x6f: {  	_ =	shalt  }
0x70: {  	_ =	shalt  }
0x71: {  	_ =	shalt  }
0x72: {  	_ =	shalt  }
0x73: {  	_ =	shalt  }
0x74: {  	_ =	shalt  }
0x75: {  	_ =	shalt  }
0x76: {  	_ =	shalt  }
0x77: {  	_ =	shalt  }
0x78: {  	_ =	shalt  }
0x79: {  	_ =	shalt  }
0x7a: {  	_ =	shalt  }
0x7b: {  	_ =	shalt  }
0x7c: {  	_ =	shalt  }
0x7d: {  	_ =	shalt  }
0x7e: {  	_ =	shalt  }
0x7f: {  	_ =	shalt  }
0x80: {  	_ =	shalt  }
0x81: {  	_ =	shalt  }
0x82: {  	_ =	shalt  }
0x83: {  	_ =	shalt  }
0x84: {  	_ =	shalt  }
0x85: {  	_ =	shalt  }
0x86: {  	_ =	shalt  }
0x87: {  	_ =	shalt  }
.Lfunc_end0:
.L_simem_size_0:
called_computation.2_lowered:
.L_overlay_start_0:
0x88: {  	s2 =	sld [smem:$0x3FD9]  }
0x89: {  	s3 =	sld [smem:$0x3FFE];
	_ =	sdelay $0x1  }
0x8a: {  	s1 =	srdreg.scid  }
0x8b: {  	s0 =	sand.u32 $0x1, s1  }
0x8c: {  	s17 =	sshll.u32 s0, $0xA;
	s2 =	sadd.s32 s3, s2  }
0x8d: {  	s2 =	sadd.s32 s2, s17  }
0x8e: {  	[smem:$0x3FC0] =	sst s2  }
0x8f: {  	_ = 	snop  }
0x90: {  	s2 =	sld [smem:$0x3FD0];
	(tm) =	ssettm $0x1  }
0x91: {  	s18 =	sld [smem:$0x3FFB];
	_ =	sdelay $0x3  }
0x92: {  	_ =	strace s18  }
0x93: {  	s3 =	sld [smem:$0x3FFC];
	_ =	sdelay $0x3  }
0x94: {  	_ =	strace s3  }
0x95: {  	s3 =	sld [smem:$0x3FFD];
	_ =	sdelay $0x3  }
0x96: {  	_ =	strace s3  }
0x97: {  	_ =	strace $0x8FFFFFFF  }
0x98: {  	s19 =	sld [smem:$0x3FDB];
	_ =	sdelay $0x1  }
0x99: {  	s4 =	simm.s32 $_scs_section_size  }
0x9a: {  	s5 =	simm.s32 $_size__tile_overlayer_lowered;
	s6 =	simm.s32 $_tile_overlayer_lowered  }
0x9b: {  	s22 =	simm.s32 $0x1BFF;
	s21 =	sshll.u32 s6, $0x1;
	s3 =	sadd.s32 s4, s19  }
0x9c: {  	s7 =	simm.s32 $0x0;
	s20 =	sshll.u32 s5, $0x1;
	s5 =	sadd.s32 s21, s3  }
0x9d: {  	[timem:s7], [sflag:s22] =	dma.local [hbm:s5], s20  }
0x9e: {  	_ =	swait.ge [sflag:s22], s20  }
0x9f: {  	s4 =	ssub.s32 $0x0, s20;
	[sflag:s22] =	ssyncset.done $0x0  }
0xa0: {  	[sflag:s22] =	ssyncadd.s32 s4;
	_ =	sdelay $0x1  }
0xa1: {  	s23 =	simm.s32 $0x1B8B  }
0xa2: {  	_ =	swait.ge [sflag:s23], $0x1  }
0xa3: {  	[sflag:s23] =	ssyncset.done $0x0  }
0xa4: {  	s25 =	simm.s32 $0x1B8E;
	s24 =	sld [smem:$0x3FFE];
	[sflag:s23] =	ssyncadd.s32 $0xFFFFFFFF  }
0xa5: {  	s26 =	simm.s32 $execute0_lowered;
	[smem:$0x3FD2] =	sst s25  }
0xa6: {  	s5 =	sshll.u32 s26, $0x1;
	_ =	strace $0x8000004C;
	[dreg:$0x1] =	wrdreg $0xFFFFFFFF  }
0xa7: {  	s28 =	simm.s32 $_size_execute0_lowered;
	s3 =	sadd.s32 s3, s5;
	[dreg:$0x0] =	wrdreg $0x0  }
0xa8: {  	s5 =	sshll.u32 s28, $0x1;
	[dreg:$0x2] =	wrdreg s3  }
0xa9: {  	[dreg:$0x3] =	wrdreg s5  }
0xaa: {  	[dreg:$0x4] =	wrdreg $0xC0  }
0xab: {  	_ =	task [dreg:s7], $0x5FFFF  }
0xac: {  	[dreg:$0x1] =	wrdreg $0xFFFFFFFF  }
0xad: {  	[dreg:$0x0] =	wrdreg $0x60  }
0xae: {  	[dreg:$0x2] =	wrdreg s2  }
0xaf: {  	[dreg:$0x3] =	wrdreg s24  }
0xb0: {  	[dreg:$0x4] =	wrdreg $0xB8000  }
0xb1: {  	[dreg:$0x5] =	wrdreg $0x9  }
0xb2: {  	_ =	task.clear_ibuf [dreg:s7], $0x6FFFF;
	_ =	strace $0x9000004C  }
0xb3: {  	s29 =	simm.s32 $0x9;
	_ =	strace $0x8000004E  }
0xb4: {  	_ =	swait.ge [sflag:s29], $0x1  }
0xb5: {  	[sflag:s29] =	ssyncadd.s32 $0xFFFFFFFF  }
0xb6: {  	_ =	strace $0x9000004E  }
0xb7: {  	_ =	sfence  }
0xb8: {  	s30 =	sld [smem:$0x0];
	_ =	sdelay $0x2  }
0xb9: {  	s31 =	sshll.u32 s1, $0xD;
	s1 =	sshrl.u32 s1, $0x2  }
0xba: {  	s3 =	sand.u32 $0x4000, s31;
	s1 =	sadd.s32 s1, s30  }
0xbb: {  	s0 =	sor.u32 s3, s0;
	s1 =	sshll.u32 s1, $0x11  }
0xbc: {  	s0 =	sor.u32 s1, s0  }
0xbd: {  	s0 =	sadd.s32 $0x8F2B, s0  }
0xbe: {  	[sflag:s0] =	ssyncadd.remote.s32 $0x1  }
0xbf: {  	_ =	sfence.sel $0xFFFF  }
0xc0: {  	[dreg:$0x0] =	wrdreg $0xFFFFFFFF;
	(pc) =	sbr.abs _section_cstart, $3  }
0xc1: {  	[dreg:$0x1] =	wrdreg $0xFFFFFFFF  }
0xc2: {  	_ =	task.clear_ibuf [dreg:s7], $0x2FFFF;
	_ =	strace $0x9FFFFFFF  }
0xc3: {  	(tm) =	ssettm $0x7FFFFFFF  }
tec
execute0_lowered:
.L_overlay_start_1:
0x0: {  	(tag) =	ssettag $0x1  }
0x1: {  	s0 =	rddreg [dreg:$0x0]  }
0x2: {  	s1 =	rddreg [dreg:$0x1];
	s12 =	stileid.u32  }
0x3: {  	s2 =	rddreg [dreg:$0x2];
	s4 =	smul.u32 $0x500, s12  }
0x4: {  	s3 =	simm.s32 $0x0;
	s5 =	srdreg.scid;
	s6 =	smul.u32 $0xA00, s12  }
0x5: {  	s28 =	simm.s32 $0x7800;
	s29 =	simm.s32 $0x40;
	s9 =	smul.u32 $0x280, s12  }
0x6: {  	s30 =	simm.s32 $0x9800;
	s31 =	simm.s32 $0x1;
	s26 =	smul.u32 $0x50000, s12  }
0x7: {  	[smem:$0x7FF] =	sst s3;
	s5 =	sand.u32 $0x1, s5;
	s15 =	smul.u32 $0x2800, s12  }
0x8: {  	s10 =	sadd.s32 $0x12200, s1;
	s17 =	sshll.u32 s12, $0x6;
	s7 =	smul.u32 $0x28000, s5  }
0x9: {  	_ =	strace $0x8000004D;
	s8 =	ssub.s32 $0x2, s5;
	s5 =	smul.u32 $0x27100, s5  }
0xa: {  	s12 =	sor.u32 $0x1C03, s17;
	s4 =	sadd.s32 s4, s1;
	s6 =	sadd.s32 s6, s1  }
0xb: {  	s11 =	sshrl.u32 s8, $0x1;
	s14 =	sshrl.u32 s26, $0x2;
	[dreg:$0x6] =	wrdreg s15  }
0xc: {  	s18 =	sadd.s32 $0x80, s9;
	s20 =	sadd.s32 $0x100, s9;
	s23 =	sadd.s32 $0x180, s9  }
0xd: {  	s25 =	sadd.s32 $0x200, s9;
	s1 =	sadd.s32 s7, s1;
	s8 =	ssub.s32 s8, s11  }
0xe: {  	s4 =	sadd.s32 $0xD200, s4;
	s13 =	sadd.s32 $0x3200, s6;
	s6 =	sadd.s32 s0, s5  }
0xf: {  	s0 =	sadd.s32 s14, s2;
	s19 =	sshll.u32 s18, $0x7;
	s22 =	sshll.u32 s20, $0x7  }
0x10: {  	s17 =	sshll.u32 s20, $0x4;
	s24 =	sshll.u32 s23, $0x7;
	s20 =	sshll.u32 s23, $0x4  }
0x11: {  	s26 =	sshll.u32 s25, $0x7;
	s23 =	sshll.u32 s25, $0x4;
	[dreg:$0x4] =	wrdreg s4  }
0x12: {  	s25 =	simm.s32 $0x3;
	[dreg:$0x5] =	wrdreg s13;
	s7 =	sadd.s32 $0x3A200, s1  }
0x13: {  	[dreg:$0x7] =	wrdreg s0;
	s16 =	smax.u32 s8, $0x1;
	s1 =	sadd.s32 s10, s15  }
0x14: {  	s13 =	sshll.u32 s18, $0x4;
	s18 =	sadd.s32 s10, s17;
	[dreg:$0x8] =	wrdreg s16  }
0x15: {  	s0 =	simm.s32 $0x2;
	[dreg:$0x9] =	wrdreg s1;
	s1 =	sadd.s32 s19, s2  }
0x16: {  	s21 =	sadd.s32 s10, s13;
	s16 =	sadd.s32 s22, s2;
	s19 =	sadd.s32 s24, s2  }
0x17: {  	s22 =	sadd.s32 s26, s2;
	s24 =	sadd.s32 s10, s23;
	[dreg:$0xa] =	wrdreg s1  }
0x18: {  	s26 =	simm.s32 $0x0;
	[dreg:$0xb] =	wrdreg s21;
	s21 =	sadd.s32 s10, s20  }
.LBB2_1:
0x19: {  	s1 =	rddreg [dreg:$0x7]  }
0x1a: {  	s4 =	rddreg [dreg:$0x9];
	s1 =	sshrl.u32 s1, $0x3  }
0x1b: {  	[spmem:s1], [sflag:s12] =	dma.local [hbm:s4], $0x800  }
0x1c: {  	_ =	swait.ge [sflag:s25], $0x800  }
0x1d: {  	[sflag:s25] =	ssyncset.done $0x0;
	s14 =	rddreg [dreg:$0xa]  }
0x1e: {  	s5 =	rddreg [dreg:$0xb];
	[sflag:s25] =	ssyncadd.s32 $0xFFFFF800;
	s4 =	sshrl.u32 s14, $0x3  }
0x1f: {  	[spmem:s4], [sflag:s12] =	dma.local [hbm:s5], $0x800  }
0x20: {  	_ =	swait.ge [sflag:s25], $0x800  }
0x21: {  	[sflag:s25] =	ssyncset.done $0x0  }
0x22: {  	s5 =	sshrl.u32 s16, $0x3;
	[sflag:s25] =	ssyncadd.s32 $0xFFFFF800  }
0x23: {  	[spmem:s5], [sflag:s12] =	dma.local [hbm:s18], $0x800  }
0x24: {  	_ =	swait.ge [sflag:s25], $0x800  }
0x25: {  	[sflag:s25] =	ssyncset.done $0x0  }
0x26: {  	s9 =	sshrl.u32 s19, $0x3;
	[sflag:s25] =	ssyncadd.s32 $0xFFFFF800  }
0x27: {  	[spmem:s9], [sflag:s12] =	dma.local [hbm:s21], $0x800  }
0x28: {  	_ =	swait.ge [sflag:s25], $0x800  }
0x29: {  	[sflag:s25] =	ssyncset.done $0x0  }
0x2a: {  	s10 =	sshrl.u32 s22, $0x3;
	[sflag:s25] =	ssyncadd.s32 $0xFFFFF800  }
0x2b: {  	[spmem:s10], [sflag:s12] =	dma.local [hbm:s24], $0x800  }
0x2c: {  	_ =	swait.ge [sflag:s25], $0x800  }
0x2d: {  	[sflag:s25] =	ssyncset.done $0x0  }
0x2e: {  	s8 =	rddreg [dreg:$0x4];
	[sflag:s25] =	ssyncadd.s32 $0xFFFFF800  }
0x2f: {  	[tilespmem:s3], [sflag:$0x3] =	stream.linear.gather [hbm4b:s8+s3], $0x2800, $0x38;
	[tilespmem:$0x1F800] =	vst v63  }
0x30: {  	_ =	swait.ge [sflag:s25], $0x2800  }
0x31: {  	[sflag:s25] =	ssyncset.done $0x0  }
0x32: {  	s11 =	simm.s32 $0x2800;
	s15 =	rddreg [dreg:$0x5];
	[sflag:s25] =	ssyncadd.s32 $0xFFFFD800  }
0x33: {  	[tilespmem:s11], [sflag:$0x3] =	stream.linear.gather [hbm4b:s15+s3], $0x5000, $0x38;
	[tilespmem:$0x1F800] =	vst v63  }
0x34: {  	_ =	swait.ge [sflag:s25], $0x5000  }
0x35: {  	[sflag:s25] =	ssyncset.done $0x0  }
0x36: {  	[sflag:s25] =	ssyncadd.s32 $0xFFFFB000  }
0x37: {  	[bflag:$0x0] =	sbarrier.arrive $0xFFFF  }
0x38: {  	[tilespmem:s28], [sflag:$0x1] =	stream.indirect.gather [hbm4b:s6+s29], $0x80, s3, s29, $0xb8;
	[tilespmem:$0x1F800] =	vst v63  }
0x39: {  	_ = 	snop  }
0x3a: {  	[tilespmem:s30], [sflag:$0x2] =	stream.indirect.gather [hbm4b:s6+s29], $0x80, s29, s29, $0xb8;
	[tilespmem:$0x1F800] =	vst v63  }
0x3b: {  	_ =	swait.ge [sflag:s31], $0x2000  }
0x3c: {  	[sflag:s31] =	ssyncset.done $0x0  }
0x3d: {  	s11 =	simm.s32 $0x2800;
	[sflag:s31] =	ssyncadd.s32 $0xFFFFE000  }
0x3e: {  	[spmem:s2] =	stream.indirect.scatter.add.f32 [tilespmem:s28], [sflag:$0x3], $0x80, s11, s29, $0xb8;
	[tilespmem:$0x1F800] =	vst v63  }
0x3f: {  	_ =	swait.ge [sflag:s25], $0x2000  }
0x40: {  	[sflag:s25] =	ssyncset.done $0x0  }
0x41: {  	s14 =	simm.s32 $0x80;
	[sflag:s25] =	ssyncadd.s32 $0xFFFFE000  }
0x42: {  	[tilespmem:s28], [sflag:$0x1] =	stream.indirect.gather [hbm4b:s6+s29], $0x80, s14, s29, $0xb8;
	[tilespmem:$0x1F800] =	vst v63  }
0x43: {  	_ =	swait.ge [sflag:s0], $0x2000  }
0x44: {  	[sflag:s0] =	ssyncset.done $0x0  }
0x45: {  	s15 =	simm.s32 $0x2880;
	[sflag:s0] =	ssyncadd.s32 $0xFFFFE000  }
0x46: {  	[spmem:s2] =	stream.indirect.scatter.add.f32 [tilespmem:s30], [sflag:$0x3], $0x80, s15, s29, $0xb8;
	[tilespmem:$0x1F800] =	vst v63  }
0x47: {  	_ =	swait.ge [sflag:s25], $0x2000  }
0x48: {  	s8 =	simm.s32 $0x40;
	s11 =	simm.s32 $0x400;
	[sflag:s25] =	ssyncset.done $0x0  }
.LBB2_2:
0x49: {  	p0 =	sne.s32 s11, $0x13800;
	[sflag:s25] =	ssyncadd.s32 $0xFFFFE000;
	s8 =	sadd.s32 $0x80, s8  }
0x4a: {  	[tilespmem:s30], [sflag:$0x2] =	stream.indirect.gather [hbm4b:s6+s29], $0x80, s8, s29, $0xb8;
	[tilespmem:$0x1F800] =	vst v63  }
0x4b: {  	s14 =	smov.u32 s11;
	s11 =	sadd.s32 $0x400, s11;
	_ =	swait.ge [sflag:s31], $0x2000  }
0x4c: {  	s14 =	sshra.s32 s14, $0x2;
	[sflag:s31] =	ssyncset.done $0x0  }
0x4d: {  	s15 =	sadd.s32 $0x2800, s14;
	[sflag:s31] =	ssyncadd.s32 $0xFFFFE000  }
0x4e: {  	[spmem:s2] =	stream.indirect.scatter.add.f32 [tilespmem:s28], [sflag:$0x3], $0x80, s15, s29, $0xb8;
	[tilespmem:$0x1F800] =	vst v63  }
0x4f: {  	_ =	swait.ge [sflag:s25], $0x2000  }
0x50: {  	[sflag:s25] =	ssyncset.done $0x0  }
0x51: {  	s15 =	sadd.s32 $0x40, s8;
	[sflag:s25] =	ssyncadd.s32 $0xFFFFE000  }
0x52: {  	[tilespmem:s28], [sflag:$0x1] =	stream.indirect.gather [hbm4b:s6+s29], $0x80, s15, s29, $0xb8;
	[tilespmem:$0x1F800] =	vst v63  }
0x53: {  	_ =	swait.ge [sflag:s0], $0x2000  }
.Ltmp0:
0x54: {  	[sflag:s0] =	ssyncset.done $0x0;
	(pc) =	sbr.rel @p0 .LBB2_2-.Ltmp0, $4  }
0x55: {  	s14 =	sadd.s32 $0x2880, s14;
	[sflag:s0] =	ssyncadd.s32 $0xFFFFE000  }
0x56: {  	[spmem:s2] =	stream.indirect.scatter.add.f32 [tilespmem:s30], [sflag:$0x3], $0x80, s14, s29, $0xb8;
	[tilespmem:$0x1F800] =	vst v63  }
0x57: {  	_ =	swait.ge [sflag:s25], $0x2000  }
0x58: {  	[sflag:s25] =	ssyncset.done $0x0  }
0x59: {  	[sflag:s25] =	ssyncadd.s32 $0xFFFFE000;
	s8 =	simm.s32 $0x27C0  }
0x5a: {  	[tilespmem:s30], [sflag:$0x2] =	stream.indirect.gather [hbm4b:s6+s29], $0x80, s8, s29, $0xb8;
	[tilespmem:$0x1F800] =	vst v63  }
0x5b: {  	_ =	swait.ge [sflag:s31], $0x2000  }
0x5c: {  	[sflag:s31] =	ssyncset.done $0x0  }
0x5d: {  	s15 =	simm.s32 $0x7700;
	[sflag:s31] =	ssyncadd.s32 $0xFFFFE000  }
0x5e: {  	[spmem:s2] =	stream.indirect.scatter.add.f32 [tilespmem:s28], [sflag:$0x3], $0x80, s15, s29, $0xb8;
	[tilespmem:$0x1F800] =	vst v63  }
0x5f: {  	_ =	swait.ge [sflag:s25], $0x2000  }
0x60: {  	[sflag:s25] =	ssyncset.done $0x0  }
0x61: {  	[sflag:s25] =	ssyncadd.s32 $0xFFFFE000  }
0x62: {  	_ =	swait.ge [sflag:s0], $0x2000  }
0x63: {  	[sflag:s0] =	ssyncset.done $0x0  }
0x64: {  	s11 =	simm.s32 $0x7780;
	[sflag:s0] =	ssyncadd.s32 $0xFFFFE000  }
0x65: {  	[spmem:s2] =	stream.indirect.scatter.add.f32 [tilespmem:s30], [sflag:$0x3], $0x80, s11, s29, $0xb8;
	[tilespmem:$0x1F800] =	vst v63  }
0x66: {  	_ =	swait.ge [sflag:s25], $0x2000  }
0x67: {  	[sflag:s25] =	ssyncset.done $0x0  }
0x68: {  	[sflag:s25] =	ssyncadd.s32 $0xFFFFE000  }
0x69: {  	[bflag:$0x0] =	sbarrier.arrive $0xFFFF  }
0x6a: {  	s14 =	rddreg [dreg:$0x6]  }
0x6b: {  	s8 =	sadd.s32 s14, s7  }
0x6c: {  	[hbm:s8], [sflag:s12] =	dma.local [spmem:s1], $0x800  }
0x6d: {  	_ =	swait.ge [sflag:s25], $0x800  }
0x6e: {  	[sflag:s25] =	ssyncset.done $0x0  }
0x6f: {  	s15 =	sadd.s32 s13, s7;
	[sflag:s25] =	ssyncadd.s32 $0xFFFFF800  }
0x70: {  	[hbm:s15], [sflag:s12] =	dma.local [spmem:s4], $0x800  }
0x71: {  	_ =	swait.ge [sflag:s25], $0x800  }
0x72: {  	[sflag:s25] =	ssyncset.done $0x0  }
0x73: {  	s8 =	sadd.s32 s17, s7;
	[sflag:s25] =	ssyncadd.s32 $0xFFFFF800  }
0x74: {  	[hbm:s8], [sflag:s12] =	dma.local [spmem:s5], $0x800  }
0x75: {  	_ =	swait.ge [sflag:s25], $0x800  }
0x76: {  	[sflag:s25] =	ssyncset.done $0x0  }
0x77: {  	s11 =	sadd.s32 s20, s7;
	[sflag:s25] =	ssyncadd.s32 $0xFFFFF800  }
0x78: {  	[hbm:s11], [sflag:s12] =	dma.local [spmem:s9], $0x800  }
0x79: {  	_ =	swait.ge [sflag:s25], $0x800  }
0x7a: {  	[sflag:s25] =	ssyncset.done $0x0  }
0x7b: {  	s14 =	sadd.s32 s23, s7;
	[sflag:s25] =	ssyncadd.s32 $0xFFFFF800  }
0x7c: {  	[hbm:s14], [sflag:s12] =	dma.local [spmem:s10], $0x800  }
0x7d: {  	_ =	swait.ge [sflag:s25], $0x800  }
0x7e: {  	s26 =	sadd.s32 $0x1, s26;
	s15 =	rddreg [dreg:$0x8]  }
0x7f: {  	p0 =	sne.s32 s26, s15  }
.Ltmp1:
0x80: {  	_ = 	snop;
	(pc) =	sbr.rel @p0 .LBB2_1-.Ltmp1, $3  }
0x81: {  	_ =	sdelay $0x1  }
0x82: {  	[sflag:s25] =	ssyncset.done $0x0  }
0x83: {  	[sflag:s25] =	ssyncadd.s32 $0xFFFFF800  }
0x84: {  	_ =	sfence.sel $0x180000  }
0x85: {  	[bflag:$0x0] =	sbarrier.arrive $0xFFFF  }
0x86: {  	_ =	strace $0x9000004D  }
0x87: {  	s0 =	stileid.u32;
	[bflag:$0x2] =	sbarrier.arrive $0xFFFF  }
0x88: {  	p0 =	sne.s32 s0, $0x0;
	s0 =	rddreg [dreg:$0x3]  }
0x89: {  	s0 =	sadd.s32 @!p0 $0x100000, s0  }
0x8a: {  	[sflag:s0] =	ssyncadd.tile.s32 @!p0 $0x1;
	_ =	shalt  }
.Lfunc_end2:
_tile_overlayer_lowered:
.L_overlay_start_2:
0x8b: {  	(tag) =	ssettag $0x2  }
0x8c: {  	s0 =	rddreg [dreg:$0x0];
	s2 =	stileid.u32  }
0x8d: {  	s1 =	rddreg [dreg:$0x1];
	p0 =	sne.s32 s2, $0x0  }
0x8e: {  	s3 =	rddreg [dreg:$0x2];
	[bflag:$0x3] =	sbarrier.arrive $0xFFFF;
	s2 =	simm.s32 @!p0 $0x1C03  }
0x8f: {  	[timem:s3], [sflag:s2] =	dma.local @!p0 [hbm:s0], s1  }
0x90: {  	s0 =	simm.s32 @!p0 $0x3  }
0x91: {  	_ =	swait.ge @!p0 [sflag:s0], s1  }
0x92: {  	s1 =	ssub.s32 @!p0 $0x0, s1;
	[sflag:s0] =	ssyncset.done @!p0 $0x0  }
0x93: {  	[sflag:s0] =	ssyncadd.s32 @!p0 s1  }
0x94: {  	[bflag:$0x3] =	sbarrier.arrive $0xFFFF  }
0x95: {  	_ =	shalt  }

// kernel: kernel.20.cloned.1.call-start
scs
__scs_entry_jumppad:
0x0: {  	(pc) =	sbr.rel $0x88, $3  }
0x1: {  	(tag) =	ssettag $0x0;
	lr =	simm.s32 $0x1  }
0x2: {  	[smem:$0x3F99] =	sst lr;
	_ =	strace $0xD0000000  }
0x3: {  	_ = 	snop  }
0x4: {  	_ = 	snop  }
0x5: {  	_ = 	snop  }
0x6: {  	_ = 	snop  }
0x7: {  	_ = 	snop  }
__scs_overlays_trampoline_lowered:
0x8: {  	[smem:$0x3FA8] =	sst s0  }
0x9: {  	[smem:$0x3FA9] =	sst s1  }
0xa: {  	[smem:$0x3FAA] =	sst s2  }
0xb: {  	[smem:$0x3FAB] =	sst s3  }
0xc: {  	[smem:$0x3FAC] =	sst s4  }
0xd: {  	[smem:$0x3FAD] =	sst s5  }
0xe: {  	[smem:$0x3FAE] =	sst s6  }
0xf: {  	[smem:$0x3FAF] =	sst s7  }
0x10: {  	[smem:$0x3FB0] =	sst s8  }
0x11: {  	[smem:$0x3FB1] =	sst s9;
	s0 =	simm.s32 @!p0 $0x0  }
0x12: {  	s1 =	sld [smem:$0x3F97];
	s0 =	simm.s32 @p0 $0x1  }
0x13: {  	[smem:$0x3FB2] =	sst s0;
	s0 =	simm.s32 @!p1 $0x0  }
0x14: {  	s2 =	sld [smem:$0x3F96];
	s0 =	simm.s32 @p1 $0x1  }
0x15: {  	[smem:$0x3FB3] =	sst s0;
	s0 =	simm.s32 @!p2 $0x0  }
0x16: {  	s3 =	sld [smem:$0x3FDB];
	s0 =	simm.s32 @p2 $0x1  }
0x17: {  	s4 =	simm.s32 $0x1BF5;
	[smem:$0x3FB5] =	sst s0  }
0x18: {  	s0 =	sld [smem:$0x3F98];
	_ =	swait.ge [sflag:s4], $0x0  }
0x19: {  	s7 =	sld [smem:$0x3F99]  }
0x1a: {  	s8 =	sadd.s32 $0xFFFFE003, lr  }
0x1b: {  	s9 =	sadd.s32 $0xFFFFFEF7, lr;
	s5 =	simm.s32 $0xFFFFFFFF;
	p2 =	slt.u32 s8, $0xFFFFF086  }
0x1c: {  	p1 =	slt.u32 s9, $0xF7A;
	s5 =	simm.s32 @!p2 $0x0  }
0x1d: {  	s5 =	simm.s32 @p1 $0x1;
	p0 =	seq.s32 s7, s2  }
0x1e: {  	s7 =	smul.u32 @!p0 $0xF7A, s2;
	p2 =	seq.s32 @!p0 s5, $0x0  }
0x1f: {  	s9 =	smul.u32 $0xF7A, s1;
	s8 =	simm.s32 @!p0 $0x1BF5;
	p2 =	por !p2, p0  }
0x20: {  	[sflag:s8] =	ssyncset.s32 @!p0 $0xFFFFF086;
	s6 =	sadd.s32 @!p0 s3, s7;
	s7 =	simm.s32 @!p0 $0x108  }
0x21: {  	s3 =	sadd.s32 s3, s9;
	s6 =	sadd.s32 @!p0 $0x88, s6;
	s7 =	simm.s32 @p2 $0x1082  }
0x22: {  	[simem:s7], [sflag:s8] =	dma.local @!p0 [hbm:s6], $0xF7A  }
0x23: {  	s9 =	sor.u32 $0xD0000000, s2;
	s6 =	simm.s32 $0x108;
	_ =	swait.ge @!p0 [sflag:s8], $0x0  }
0x24: {  	s3 =	sadd.s32 $0x88, s3;
	s6 =	simm.s32 @!p1 $0x1082;
	[sflag:s4] =	ssyncset.s32 $0xFFFFF086  }
0x25: {  	[simem:s6], [sflag:s4] =	dma.local [hbm:s3], $0xF7A  }
0x26: {  	[smem:$0x3F99] =	sst s1;
	(tag) =	ssettag s2;
	_ =	strace s9  }
0x27: {  	s1 =	sld [smem:$0x3FA9]  }
0x28: {  	s2 =	sld [smem:$0x3FAA]  }
0x29: {  	s4 =	sld [smem:$0x3FAC]  }
0x2a: {  	p0 =	seq.s32 s5, $0x0;
	s5 =	sld [smem:$0x3FAD]  }
0x2b: {  	s6 =	sld [smem:$0x3FAE]  }
0x2c: {  	s7 =	sld [smem:$0x3FAF]  }
0x2d: {  	s3 =	simm.s32 $0x108;
	s8 =	sld [smem:$0x3FB0]  }
0x2e: {  	s3 =	simm.s32 @!p0 $0x1082;
	s9 =	sld [smem:$0x3FB1]  }
0x2f: {  	lr =	sadd.s32 s0, s3;
	s0 =	sld [smem:$0x3FA8]  }
0x30: {  	s3 =	sld [smem:$0x3FAB]  }
0x31: {  	[smem:$0x3FB4] =	sst s10  }
0x32: {  	s10 =	sld [smem:$0x3FB2];
	_ =	sdelay $0x3  }
0x33: {  	p0 =	seq.s32 s10, $0x1;
	s10 =	sld [smem:$0x3FB4];
	_ =	sdelay $0x3  }
0x34: {  	[smem:$0x3FB4] =	sst s10  }
0x35: {  	s10 =	sld [smem:$0x3FB3];
	_ =	sdelay $0x3  }
0x36: {  	p1 =	seq.s32 s10, $0x1;
	s10 =	sld [smem:$0x3FB4];
	_ =	sdelay $0x3  }
0x37: {  	[smem:$0x3FB4] =	sst s10  }
0x38: {  	s10 =	sld [smem:$0x3FB5]  }
0x39: {  	_ = 	snop;
	(pc) =	sbr.ind lr, $3  }
0x3a: {  	_ = 	snop  }
0x3b: {  	_ = 	snop  }
0x3c: {  	p2 =	seq.s32 s10, $0x1;
	s10 =	sld [smem:$0x3FB4]  }
0x3d: {  	_ =	shalt  }
0x3e: {  	_ =	shalt  }
0x3f: {  	_ =	shalt  }
0x40: {  	_ =	shalt  }
0x41: {  	_ =	shalt  }
0x42: {  	_ =	shalt  }
0x43: {  	_ =	shalt  }
0x44: {  	_ =	shalt  }
0x45: {  	_ =	shalt  }
0x46: {  	_ =	shalt  }
0x47: {  	_ =	shalt  }
0x48: {  	_ =	shalt  }
0x49: {  	_ =	shalt  }
0x4a: {  	_ =	shalt  }
0x4b: {  	_ =	shalt  }
0x4c: {  	_ =	shalt  }
0x4d: {  	_ =	shalt  }
0x4e: {  	_ =	shalt  }
0x4f: {  	_ =	shalt  }
0x50: {  	_ =	shalt  }
0x51: {  	_ =	shalt  }
0x52: {  	_ =	shalt  }
0x53: {  	_ =	shalt  }
0x54: {  	_ =	shalt  }
0x55: {  	_ =	shalt  }
0x56: {  	_ =	shalt  }
0x57: {  	_ =	shalt  }
0x58: {  	_ =	shalt  }
0x59: {  	_ =	shalt  }
0x5a: {  	_ =	shalt  }
0x5b: {  	_ =	shalt  }
0x5c: {  	_ =	shalt  }
0x5d: {  	_ =	shalt  }
0x5e: {  	_ =	shalt  }
0x5f: {  	_ =	shalt  }
0x60: {  	_ =	shalt  }
0x61: {  	_ =	shalt  }
0x62: {  	_ =	shalt  }
0x63: {  	_ =	shalt  }
0x64: {  	_ =	shalt  }
0x65: {  	_ =	shalt  }
0x66: {  	_ =	shalt  }
0x67: {  	_ =	shalt  }
0x68: {  	_ =	shalt  }
0x69: {  	_ =	shalt  }
0x6a: {  	_ =	shalt  }
0x6b: {  	_ =	shalt  }
0x6c: {  	_ =	shalt  }
0x6d: {  	_ =	shalt  }
0x6e: {  	_ =	shalt  }
0x6f: {  	_ =	shalt  }
0x70: {  	_ =	shalt  }
0x71: {  	_ =	shalt  }
0x72: {  	_ =	shalt  }
0x73: {  	_ =	shalt  }
0x74: {  	_ =	shalt  }
0x75: {  	_ =	shalt  }
0x76: {  	_ =	shalt  }
0x77: {  	_ =	shalt  }
0x78: {  	_ =	shalt  }
0x79: {  	_ =	shalt  }
0x7a: {  	_ =	shalt  }
0x7b: {  	_ =	shalt  }
0x7c: {  	_ =	shalt  }
0x7d: {  	_ =	shalt  }
0x7e: {  	_ =	shalt  }
0x7f: {  	_ =	shalt  }
0x80: {  	_ =	shalt  }
0x81: {  	_ =	shalt  }
0x82: {  	_ =	shalt  }
0x83: {  	_ =	shalt  }
0x84: {  	_ =	shalt  }
0x85: {  	_ =	shalt  }
0x86: {  	_ =	shalt  }
0x87: {  	_ =	shalt  }
.Lfunc_end0:
.L_simem_size_0:
called_computation.3_lowered:
.L_overlay_start_0:
0x88: {  	s2 =	sld [smem:$0x3FD9]  }
0x89: {  	s3 =	sld [smem:$0x3FFE];
	_ =	sdelay $0x1  }
0x8a: {  	s1 =	srdreg.scid  }
0x8b: {  	s0 =	sand.u32 $0x1, s1  }
0x8c: {  	s17 =	sshll.u32 s0, $0xA;
	s2 =	sadd.s32 s3, s2  }
0x8d: {  	s2 =	sadd.s32 s2, s17  }
0x8e: {  	[smem:$0x3FC0] =	sst s2  }
0x8f: {  	_ = 	snop  }
0x90: {  	s2 =	sld [smem:$0x3FD0];
	(tm) =	ssettm $0x1  }
0x91: {  	s18 =	sld [smem:$0x3FFB];
	_ =	sdelay $0x3  }
0x92: {  	_ =	strace s18  }
0x93: {  	s3 =	sld [smem:$0x3FFC];
	_ =	sdelay $0x3  }
0x94: {  	_ =	strace s3  }
0x95: {  	s3 =	sld [smem:$0x3FFD];
	_ =	sdelay $0x3  }
0x96: {  	_ =	strace s3  }
0x97: {  	_ =	strace $0x8FFFFFFF  }
0x98: {  	s19 =	sld [smem:$0x3FDB];
	_ =	sdelay $0x1  }
0x99: {  	s4 =	simm.s32 $_scs_section_size  }
0x9a: {  	s5 =	simm.s32 $_size__tile_overlayer_lowered;
	s6 =	simm.s32 $_tile_overlayer_lowered  }
0x9b: {  	s22 =	simm.s32 $0x1BFF;
	s21 =	sshll.u32 s6, $0x1;
	s3 =	sadd.s32 s4, s19  }
0x9c: {  	s7 =	simm.s32 $0x0;
	s20 =	sshll.u32 s5, $0x1;
	s5 =	sadd.s32 s21, s3  }
0x9d: {  	[timem:s7], [sflag:s22] =	dma.local [hbm:s5], s20  }
0x9e: {  	_ =	swait.ge [sflag:s22], s20  }
0x9f: {  	s4 =	ssub.s32 $0x0, s20;
	[sflag:s22] =	ssyncset.done $0x0  }
0xa0: {  	[sflag:s22] =	ssyncadd.s32 s4;
	_ =	sdelay $0x1  }
0xa1: {  	s23 =	simm.s32 $0x1B8B  }
0xa2: {  	_ =	swait.ge [sflag:s23], $0x1  }
0xa3: {  	[sflag:s23] =	ssyncset.done $0x0  }
0xa4: {  	s25 =	simm.s32 $0x1B8E;
	s24 =	sld [smem:$0x3FFE];
	[sflag:s23] =	ssyncadd.s32 $0xFFFFFFFF  }
0xa5: {  	s26 =	simm.s32 $execute0_lowered;
	[smem:$0x3FD2] =	sst s25  }
0xa6: {  	s5 =	sshll.u32 s26, $0x1;
	_ =	strace $0x8000004F;
	[dreg:$0x1] =	wrdreg $0xFFFFFFFF  }
0xa7: {  	s28 =	simm.s32 $_size_execute0_lowered;
	s3 =	sadd.s32 s3, s5;
	[dreg:$0x0] =	wrdreg $0x0  }
0xa8: {  	s5 =	sshll.u32 s28, $0x1;
	[dreg:$0x2] =	wrdreg s3  }
0xa9: {  	[dreg:$0x3] =	wrdreg s5  }
0xaa: {  	[dreg:$0x4] =	wrdreg $0xC0  }
0xab: {  	_ =	task [dreg:s7], $0x5FFFF  }
0xac: {  	[dreg:$0x1] =	wrdreg $0xFFFFFFFF  }
0xad: {  	[dreg:$0x0] =	wrdreg $0x60  }
0xae: {  	[dreg:$0x2] =	wrdreg s2  }
0xaf: {  	[dreg:$0x3] =	wrdreg s24  }
0xb0: {  	[dreg:$0x4] =	wrdreg $0xB8000  }
0xb1: {  	[dreg:$0x5] =	wrdreg $0x9  }
0xb2: {  	_ =	task.clear_ibuf [dreg:s7], $0x6FFFF;
	_ =	strace $0x9000004F  }
0xb3: {  	s29 =	simm.s32 $0x9;
	_ =	strace $0x80000051  }
0xb4: {  	_ =	swait.ge [sflag:s29], $0x1  }
0xb5: {  	[sflag:s29] =	ssyncadd.s32 $0xFFFFFFFF  }
0xb6: {  	_ =	strace $0x90000051  }
0xb7: {  	_ =	sfence  }
0xb8: {  	s30 =	sld [smem:$0x0];
	_ =	sdelay $0x2  }
0xb9: {  	s31 =	sshll.u32 s1, $0xD;
	s1 =	sshrl.u32 s1, $0x2  }
0xba: {  	s3 =	sand.u32 $0x4000, s31;
	s1 =	sadd.s32 s1, s30  }
0xbb: {  	s0 =	sor.u32 s3, s0;
	s1 =	sshll.u32 s1, $0x11  }
0xbc: {  	s0 =	sor.u32 s1, s0  }
0xbd: {  	s0 =	sadd.s32 $0x8F2B, s0  }
0xbe: {  	[sflag:s0] =	ssyncadd.remote.s32 $0x1  }
0xbf: {  	_ =	sfence.sel $0xFFFF  }
0xc0: {  	[dreg:$0x0] =	wrdreg $0xFFFFFFFF;
	(pc) =	sbr.abs _section_cstart, $3  }
0xc1: {  	[dreg:$0x1] =	wrdreg $0xFFFFFFFF  }
0xc2: {  	_ =	task.clear_ibuf [dreg:s7], $0x2FFFF;
	_ =	strace $0x9FFFFFFF  }
0xc3: {  	(tm) =	ssettm $0x7FFFFFFF  }
tec
execute0_lowered:
.L_overlay_start_1:
0x0: {  	(tag) =	ssettag $0x1  }
0x1: {  	s0 =	rddreg [dreg:$0x0]  }
0x2: {  	s1 =	rddreg [dreg:$0x1];
	s12 =	stileid.u32  }
0x3: {  	s2 =	rddreg [dreg:$0x2];
	s4 =	smul.u32 $0x500, s12  }
0x4: {  	s3 =	simm.s32 $0x0;
	s5 =	srdreg.scid;
	s6 =	smul.u32 $0xA00, s12  }
0x5: {  	s28 =	simm.s32 $0x7800;
	s29 =	simm.s32 $0x40;
	s9 =	smul.u32 $0x280, s12  }
0x6: {  	s30 =	simm.s32 $0x9800;
	s31 =	simm.s32 $0x1;
	s26 =	smul.u32 $0x50000, s12  }
0x7: {  	[smem:$0x7FF] =	sst s3;
	s5 =	sand.u32 $0x1, s5;
	s15 =	smul.u32 $0x2800, s12  }
0x8: {  	s10 =	sadd.s32 $0x12200, s1;
	s17 =	sshll.u32 s12, $0x6;
	s7 =	smul.u32 $0x28000, s5  }
0x9: {  	_ =	strace $0x80000050;
	s8 =	ssub.s32 $0x2, s5;
	s5 =	smul.u32 $0x27100, s5  }
0xa: {  	s12 =	sor.u32 $0x1C03, s17;
	s4 =	sadd.s32 s4, s1;
	s6 =	sadd.s32 s6, s1  }
0xb: {  	s11 =	sshrl.u32 s8, $0x1;
	s14 =	sshrl.u32 s26, $0x2;
	[dreg:$0x6] =	wrdreg s15  }
0xc: {  	s18 =	sadd.s32 $0x80, s9;
	s20 =	sadd.s32 $0x100, s9;
	s23 =	sadd.s32 $0x180, s9  }
0xd: {  	s25 =	sadd.s32 $0x200, s9;
	s1 =	sadd.s32 s7, s1;
	s8 =	ssub.s32 s8, s11  }
0xe: {  	s4 =	sadd.s32 $0xD200, s4;
	s13 =	sadd.s32 $0x3200, s6;
	s6 =	sadd.s32 s0, s5  }
0xf: {  	s0 =	sadd.s32 s14, s2;
	s19 =	sshll.u32 s18, $0x7;
	s22 =	sshll.u32 s20, $0x7  }
0x10: {  	s17 =	sshll.u32 s20, $0x4;
	s24 =	sshll.u32 s23, $0x7;
	s20 =	sshll.u32 s23, $0x4  }
0x11: {  	s26 =	sshll.u32 s25, $0x7;
	s23 =	sshll.u32 s25, $0x4;
	[dreg:$0x4] =	wrdreg s4  }
0x12: {  	s25 =	simm.s32 $0x3;
	[dreg:$0x5] =	wrdreg s13;
	s7 =	sadd.s32 $0x3A200, s1  }
0x13: {  	[dreg:$0x7] =	wrdreg s0;
	s16 =	smax.u32 s8, $0x1;
	s1 =	sadd.s32 s10, s15  }
0x14: {  	s13 =	sshll.u32 s18, $0x4;
	s18 =	sadd.s32 s10, s17;
	[dreg:$0x8] =	wrdreg s16  }
0x15: {  	s0 =	simm.s32 $0x2;
	[dreg:$0x9] =	wrdreg s1;
	s1 =	sadd.s32 s19, s2  }
0x16: {  	s21 =	sadd.s32 s10, s13;
	s16 =	sadd.s32 s22, s2;
	s19 =	sadd.s32 s24, s2  }
0x17: {  	s22 =	sadd.s32 s26, s2;
	s24 =	sadd.s32 s10, s23;
	[dreg:$0xa] =	wrdreg s1  }
0x18: {  	s26 =	simm.s32 $0x0;
	[dreg:$0xb] =	wrdreg s21;
	s21 =	sadd.s32 s10, s20  }
.LBB2_1:
0x19: {  	s1 =	rddreg [dreg:$0x7]  }
0x1a: {  	s4 =	rddreg [dreg:$0x9];
	s1 =	sshrl.u32 s1, $0x3  }
0x1b: {  	[spmem:s1], [sflag:s12] =	dma.local [hbm:s4], $0x800  }
0x1c: {  	_ =	swait.ge [sflag:s25], $0x800  }
0x1d: {  	[sflag:s25] =	ssyncset.done $0x0;
	s14 =	rddreg [dreg:$0xa]  }
0x1e: {  	s5 =	rddreg [dreg:$0xb];
	[sflag:s25] =	ssyncadd.s32 $0xFFFFF800;
	s4 =	sshrl.u32 s14, $0x3  }
0x1f: {  	[spmem:s4], [sflag:s12] =	dma.local [hbm:s5], $0x800  }
0x20: {  	_ =	swait.ge [sflag:s25], $0x800  }
0x21: {  	[sflag:s25] =	ssyncset.done $0x0  }
0x22: {  	s5 =	sshrl.u32 s16, $0x3;
	[sflag:s25] =	ssyncadd.s32 $0xFFFFF800  }
0x23: {  	[spmem:s5], [sflag:s12] =	dma.local [hbm:s18], $0x800  }
0x24: {  	_ =	swait.ge [sflag:s25], $0x800  }
0x25: {  	[sflag:s25] =	ssyncset.done $0x0  }
0x26: {  	s9 =	sshrl.u32 s19, $0x3;
	[sflag:s25] =	ssyncadd.s32 $0xFFFFF800  }
0x27: {  	[spmem:s9], [sflag:s12] =	dma.local [hbm:s21], $0x800  }
0x28: {  	_ =	swait.ge [sflag:s25], $0x800  }
0x29: {  	[sflag:s25] =	ssyncset.done $0x0  }
0x2a: {  	s10 =	sshrl.u32 s22, $0x3;
	[sflag:s25] =	ssyncadd.s32 $0xFFFFF800  }
0x2b: {  	[spmem:s10], [sflag:s12] =	dma.local [hbm:s24], $0x800  }
0x2c: {  	_ =	swait.ge [sflag:s25], $0x800  }
0x2d: {  	[sflag:s25] =	ssyncset.done $0x0  }
0x2e: {  	s8 =	rddreg [dreg:$0x4];
	[sflag:s25] =	ssyncadd.s32 $0xFFFFF800  }
0x2f: {  	[tilespmem:s3], [sflag:$0x3] =	stream.linear.gather [hbm4b:s8+s3], $0x2800, $0x38;
	[tilespmem:$0x1F800] =	vst v63  }
0x30: {  	_ =	swait.ge [sflag:s25], $0x2800  }
0x31: {  	[sflag:s25] =	ssyncset.done $0x0  }
0x32: {  	s11 =	simm.s32 $0x2800;
	s15 =	rddreg [dreg:$0x5];
	[sflag:s25] =	ssyncadd.s32 $0xFFFFD800  }
0x33: {  	[tilespmem:s11], [sflag:$0x3] =	stream.linear.gather [hbm4b:s15+s3], $0x5000, $0x38;
	[tilespmem:$0x1F800] =	vst v63  }
0x34: {  	_ =	swait.ge [sflag:s25], $0x5000  }
0x35: {  	[sflag:s25] =	ssyncset.done $0x0  }
0x36: {  	[sflag:s25] =	ssyncadd.s32 $0xFFFFB000  }
0x37: {  	[bflag:$0x0] =	sbarrier.arrive $0xFFFF  }
0x38: {  	[tilespmem:s28], [sflag:$0x1] =	stream.indirect.gather [hbm4b:s6+s29], $0x80, s3, s29, $0xb8;
	[tilespmem:$0x1F800] =	vst v63  }
0x39: {  	_ = 	snop  }
0x3a: {  	[tilespmem:s30], [sflag:$0x2] =	stream.indirect.gather [hbm4b:s6+s29], $0x80, s29, s29, $0xb8;
	[tilespmem:$0x1F800] =	vst v63  }
0x3b: {  	_ =	swait.ge [sflag:s31], $0x2000  }
0x3c: {  	[sflag:s31] =	ssyncset.done $0x0  }
0x3d: {  	s11 =	simm.s32 $0x2800;
	[sflag:s31] =	ssyncadd.s32 $0xFFFFE000  }
0x3e: {  	[spmem:s2] =	stream.indirect.scatter.add.f32 [tilespmem:s28], [sflag:$0x3], $0x80, s11, s29, $0xb8;
	[tilespmem:$0x1F800] =	vst v63  }
0x3f: {  	_ =	swait.ge [sflag:s25], $0x2000  }
0x40: {  	[sflag:s25] =	ssyncset.done $0x0  }
0x41: {  	s14 =	simm.s32 $0x80;
	[sflag:s25] =	ssyncadd.s32 $0xFFFFE000  }
0x42: {  	[tilespmem:s28], [sflag:$0x1] =	stream.indirect.gather [hbm4b:s6+s29], $0x80, s14, s29, $0xb8;
	[tilespmem:$0x1F800] =	vst v63  }
0x43: {  	_ =	swait.ge [sflag:s0], $0x2000  }
0x44: {  	[sflag:s0] =	ssyncset.done $0x0  }
0x45: {  	s15 =	simm.s32 $0x2880;
	[sflag:s0] =	ssyncadd.s32 $0xFFFFE000  }
0x46: {  	[spmem:s2] =	stream.indirect.scatter.add.f32 [tilespmem:s30], [sflag:$0x3], $0x80, s15, s29, $0xb8;
	[tilespmem:$0x1F800] =	vst v63  }
0x47: {  	_ =	swait.ge [sflag:s25], $0x2000  }
0x48: {  	s8 =	simm.s32 $0x40;
	s11 =	simm.s32 $0x400;
	[sflag:s25] =	ssyncset.done $0x0  }
.LBB2_2:
0x49: {  	p0 =	sne.s32 s11, $0x13800;
	[sflag:s25] =	ssyncadd.s32 $0xFFFFE000;
	s8 =	sadd.s32 $0x80, s8  }
0x4a: {  	[tilespmem:s30], [sflag:$0x2] =	stream.indirect.gather [hbm4b:s6+s29], $0x80, s8, s29, $0xb8;
	[tilespmem:$0x1F800] =	vst v63  }
0x4b: {  	s14 =	smov.u32 s11;
	s11 =	sadd.s32 $0x400, s11;
	_ =	swait.ge [sflag:s31], $0x2000  }
0x4c: {  	s14 =	sshra.s32 s14, $0x2;
	[sflag:s31] =	ssyncset.done $0x0  }
0x4d: {  	s15 =	sadd.s32 $0x2800, s14;
	[sflag:s31] =	ssyncadd.s32 $0xFFFFE000  }
0x4e: {  	[spmem:s2] =	stream.indirect.scatter.add.f32 [tilespmem:s28], [sflag:$0x3], $0x80, s15, s29, $0xb8;
	[tilespmem:$0x1F800] =	vst v63  }
0x4f: {  	_ =	swait.ge [sflag:s25], $0x2000  }
0x50: {  	[sflag:s25] =	ssyncset.done $0x0  }
0x51: {  	s15 =	sadd.s32 $0x40, s8;
	[sflag:s25] =	ssyncadd.s32 $0xFFFFE000  }
0x52: {  	[tilespmem:s28], [sflag:$0x1] =	stream.indirect.gather [hbm4b:s6+s29], $0x80, s15, s29, $0xb8;
	[tilespmem:$0x1F800] =	vst v63  }
0x53: {  	_ =	swait.ge [sflag:s0], $0x2000  }
.Ltmp0:
0x54: {  	[sflag:s0] =	ssyncset.done $0x0;
	(pc) =	sbr.rel @p0 .LBB2_2-.Ltmp0, $4  }
0x55: {  	s14 =	sadd.s32 $0x2880, s14;
	[sflag:s0] =	ssyncadd.s32 $0xFFFFE000  }
0x56: {  	[spmem:s2] =	stream.indirect.scatter.add.f32 [tilespmem:s30], [sflag:$0x3], $0x80, s14, s29, $0xb8;
	[tilespmem:$0x1F800] =	vst v63  }
0x57: {  	_ =	swait.ge [sflag:s25], $0x2000  }
0x58: {  	[sflag:s25] =	ssyncset.done $0x0  }
0x59: {  	[sflag:s25] =	ssyncadd.s32 $0xFFFFE000;
	s8 =	simm.s32 $0x27C0  }
0x5a: {  	[tilespmem:s30], [sflag:$0x2] =	stream.indirect.gather [hbm4b:s6+s29], $0x80, s8, s29, $0xb8;
	[tilespmem:$0x1F800] =	vst v63  }
0x5b: {  	_ =	swait.ge [sflag:s31], $0x2000  }
0x5c: {  	[sflag:s31] =	ssyncset.done $0x0  }
0x5d: {  	s15 =	simm.s32 $0x7700;
	[sflag:s31] =	ssyncadd.s32 $0xFFFFE000  }
0x5e: {  	[spmem:s2] =	stream.indirect.scatter.add.f32 [tilespmem:s28], [sflag:$0x3], $0x80, s15, s29, $0xb8;
	[tilespmem:$0x1F800] =	vst v63  }
0x5f: {  	_ =	swait.ge [sflag:s25], $0x2000  }
0x60: {  	[sflag:s25] =	ssyncset.done $0x0  }
0x61: {  	[sflag:s25] =	ssyncadd.s32 $0xFFFFE000  }
0x62: {  	_ =	swait.ge [sflag:s0], $0x2000  }
0x63: {  	[sflag:s0] =	ssyncset.done $0x0  }
0x64: {  	s11 =	simm.s32 $0x7780;
	[sflag:s0] =	ssyncadd.s32 $0xFFFFE000  }
0x65: {  	[spmem:s2] =	stream.indirect.scatter.add.f32 [tilespmem:s30], [sflag:$0x3], $0x80, s11, s29, $0xb8;
	[tilespmem:$0x1F800] =	vst v63  }
0x66: {  	_ =	swait.ge [sflag:s25], $0x2000  }
0x67: {  	[sflag:s25] =	ssyncset.done $0x0  }
0x68: {  	[sflag:s25] =	ssyncadd.s32 $0xFFFFE000  }
0x69: {  	[bflag:$0x0] =	sbarrier.arrive $0xFFFF  }
0x6a: {  	s14 =	rddreg [dreg:$0x6]  }
0x6b: {  	s8 =	sadd.s32 s14, s7  }
0x6c: {  	[hbm:s8], [sflag:s12] =	dma.local [spmem:s1], $0x800  }
0x6d: {  	_ =	swait.ge [sflag:s25], $0x800  }
0x6e: {  	[sflag:s25] =	ssyncset.done $0x0  }
0x6f: {  	s15 =	sadd.s32 s13, s7;
	[sflag:s25] =	ssyncadd.s32 $0xFFFFF800  }
0x70: {  	[hbm:s15], [sflag:s12] =	dma.local [spmem:s4], $0x800  }
0x71: {  	_ =	swait.ge [sflag:s25], $0x800  }
0x72: {  	[sflag:s25] =	ssyncset.done $0x0  }
0x73: {  	s8 =	sadd.s32 s17, s7;
	[sflag:s25] =	ssyncadd.s32 $0xFFFFF800  }
0x74: {  	[hbm:s8], [sflag:s12] =	dma.local [spmem:s5], $0x800  }
0x75: {  	_ =	swait.ge [sflag:s25], $0x800  }
0x76: {  	[sflag:s25] =	ssyncset.done $0x0  }
0x77: {  	s11 =	sadd.s32 s20, s7;
	[sflag:s25] =	ssyncadd.s32 $0xFFFFF800  }
0x78: {  	[hbm:s11], [sflag:s12] =	dma.local [spmem:s9], $0x800  }
0x79: {  	_ =	swait.ge [sflag:s25], $0x800  }
0x7a: {  	[sflag:s25] =	ssyncset.done $0x0  }
0x7b: {  	s14 =	sadd.s32 s23, s7;
	[sflag:s25] =	ssyncadd.s32 $0xFFFFF800  }
0x7c: {  	[hbm:s14], [sflag:s12] =	dma.local [spmem:s10], $0x800  }
0x7d: {  	_ =	swait.ge [sflag:s25], $0x800  }
0x7e: {  	s26 =	sadd.s32 $0x1, s26;
	s15 =	rddreg [dreg:$0x8]  }
0x7f: {  	p0 =	sne.s32 s26, s15  }
.Ltmp1:
0x80: {  	_ = 	snop;
	(pc) =	sbr.rel @p0 .LBB2_1-.Ltmp1, $3  }
0x81: {  	_ =	sdelay $0x1  }
0x82: {  	[sflag:s25] =	ssyncset.done $0x0  }
0x83: {  	[sflag:s25] =	ssyncadd.s32 $0xFFFFF800  }
0x84: {  	_ =	sfence.sel $0x180000  }
0x85: {  	[bflag:$0x0] =	sbarrier.arrive $0xFFFF  }
0x86: {  	_ =	strace $0x90000050  }
0x87: {  	s0 =	stileid.u32;
	[bflag:$0x2] =	sbarrier.arrive $0xFFFF  }
0x88: {  	p0 =	sne.s32 s0, $0x0;
	s0 =	rddreg [dreg:$0x3]  }
0x89: {  	s0 =	sadd.s32 @!p0 $0x100000, s0  }
0x8a: {  	[sflag:s0] =	ssyncadd.tile.s32 @!p0 $0x1;
	_ =	shalt  }
.Lfunc_end2:
_tile_overlayer_lowered:
.L_overlay_start_2:
0x8b: {  	(tag) =	ssettag $0x2  }
0x8c: {  	s0 =	rddreg [dreg:$0x0];
	s2 =	stileid.u32  }
0x8d: {  	s1 =	rddreg [dreg:$0x1];
	p0 =	sne.s32 s2, $0x0  }
0x8e: {  	s3 =	rddreg [dreg:$0x2];
	[bflag:$0x3] =	sbarrier.arrive $0xFFFF;
	s2 =	simm.s32 @!p0 $0x1C03  }
0x8f: {  	[timem:s3], [sflag:s2] =	dma.local @!p0 [hbm:s0], s1  }
0x90: {  	s0 =	simm.s32 @!p0 $0x3  }
0x91: {  	_ =	swait.ge @!p0 [sflag:s0], s1  }
0x92: {  	s1 =	ssub.s32 @!p0 $0x0, s1;
	[sflag:s0] =	ssyncset.done @!p0 $0x0  }
0x93: {  	[sflag:s0] =	ssyncadd.s32 @!p0 s1  }
0x94: {  	[bflag:$0x3] =	sbarrier.arrive $0xFFFF  }
0x95: {  	_ =	shalt  }

</sc_bundles>
